<compile_context>
chip_gen: v7x
topology: tpu7x:2x2x1
jax: 0.10.2.dev20260603
libtpu: 0.0.44.dev20260713+nightly
codegen_flags: <defaults>
</compile_context>

<pallas_src>
import functools

import jax
import jax.numpy as jnp
from jax import lax
from jax.experimental import pallas as pl
from jax.experimental.pallas import tpu as pltpu
from jax.experimental.pallas import tpu_sc as plsc

_N = 10000
_E = 320000
_G = 128
_NP = 10240
_K = 128
_C = 157
_EPS = _C * _K
_EPAD = 16 * _EPS
_EW = _EPAD // 32
_BN = 256
_NB = _NP // _BN

_MESH = plsc.VectorSubcoreMesh(core_axis_name="c", subcore_axis_name="s")


@functools.partial(
    pl.kernel,
    out_type=jax.ShapeDtypeStruct((32, _NP), jnp.float32),
    mesh=_MESH,
    scratch_types=[
        pltpu.VMEM((_EW,), jnp.int32),
        pltpu.VMEM((_NP,), jnp.float32),
    ],
    compiler_params=pltpu.CompilerParams(needs_layout_passes=False,
                                         disable_bounds_checks=True),
)
def _deg_kernel(dst_hbm, out_hbm, idx_v, deg_v):
    c = lax.axis_index("c")
    s = lax.axis_index("s")
    w = s * 2 + c

    def zero_body(j, carry):
        deg_v[pl.ds(j * 16, 16)] = jnp.zeros((16,), jnp.float32)
        return carry

    lax.fori_loop(0, _NP // 16, zero_body, 0)

    pltpu.sync_copy(dst_hbm.at[pl.ds(w * _EW, _EW)], idx_v)

    ones = jnp.ones((16,), jnp.float32)

    def body(j, carry):
        idx = idx_v[pl.ds(j * 16, 16)]
        plsc.addupdate_scatter(deg_v, [idx], ones)
        return carry

    lax.fori_loop(0, _EW // 16, body, 0)
    pltpu.sync_copy(deg_v, out_hbm.at[w])


@functools.partial(
    pl.kernel,
    out_type=jax.ShapeDtypeStruct((2 * _NP, 128), jnp.float32),
    mesh=_MESH,
    scratch_types=[
        pltpu.VMEM_SHARED((_NP, 128), jnp.float32),
        pltpu.VMEM((_K,), jnp.int32),
        pltpu.VMEM((_K,), jnp.int32),
        pltpu.VMEM((_K,), jnp.int32),
        pltpu.VMEM((_K,), jnp.int32),
        pltpu.VMEM((_K, 128), jnp.float32),
        pltpu.VMEM((_K, 128), jnp.float32),
        pltpu.SemaphoreType.DMA,
        pltpu.SemaphoreType.DMA,
        pltpu.SemaphoreType.DMA,
        pltpu.SemaphoreType.DMA,
    ],
)
def _scatter_kernel(table_hbm, src_hbm, dst_hbm, out_hbm,
                    acc, src_a, src_b, dst_a, dst_b, rows_a, rows_b,
                    sem_a, sem_b, sem_ia, sem_ib):
    c = lax.axis_index("c")
    s = lax.axis_index("s")
    nrow = _NP // 16

    def init_body(t, carry):
        pltpu.sync_copy(table_hbm.at[pl.ds(c * _NP + s * nrow + t * _K, _K)],
                        rows_a)
        pltpu.sync_copy(rows_a, acc.at[pl.ds(s * nrow + t * _K, _K)])
        return carry

    lax.fori_loop(0, nrow // _K, init_body, 0)

    plsc.subcore_barrier()

    ebase = s * _EPS

    def chunk_off(k):
        return pl.ds(c * _EPAD + ebase + k * _K, _K)

    pltpu.sync_copy(src_hbm.at[chunk_off(0)], src_a)
    g_a = pltpu.async_copy(table_hbm.at[src_a], rows_a, sem_a)
    pltpu.sync_copy(src_hbm.at[chunk_off(1)], src_b)

    def pair_body(p, carry):
        a = 2 * p
        pltpu.sync_copy(dst_hbm.at[pl.ds(ebase + a * _K, _K)], dst_a)
        pltpu.make_async_copy(table_hbm.at[src_a], rows_a, sem_a).wait()
        g_b = pltpu.async_copy(table_hbm.at[src_b], rows_b, sem_b)
        d_ia = pltpu.async_copy(src_hbm.at[chunk_off(a + 2)], src_a, sem_ia)
        pltpu.sync_copy(rows_a, acc.at[dst_a], add=True)
        pltpu.sync_copy(dst_hbm.at[pl.ds(ebase + (a + 1) * _K, _K)], dst_b)
        g_b.wait()
        d_ia.wait()
        pltpu.async_copy(table_hbm.at[src_a], rows_a, sem_a)
        d_ib = pltpu.async_copy(src_hbm.at[chunk_off(a + 3)], src_b, sem_ib)
        pltpu.sync_copy(rows_b, acc.at[dst_b], add=True)
        d_ib.wait()
        return carry

    lax.fori_loop(0, _C // 2, pair_body, 0)

    last = _C - 1
    pltpu.sync_copy(dst_hbm.at[pl.ds(ebase + last * _K, _K)], dst_a)
    pltpu.make_async_copy(table_hbm.at[src_a], rows_a, sem_a).wait()
    pltpu.sync_copy(rows_a, acc.at[dst_a], add=True)

    plsc.subcore_barrier()

    def out_body(t, carry):
        pltpu.sync_copy(acc.at[pl.ds(s * nrow + t * _K, _K)], rows_a)
        pltpu.sync_copy(rows_a,
                        out_hbm.at[pl.ds(c * _NP + s * nrow + t * _K, _K)])
        return carry

    lax.fori_loop(0, nrow // _K, out_body, 0)


def _mm1_body(x_ref, w_ref, degp_ref, hs_ref, dinv_ref):
    deg = jnp.sum(degp_ref[...], axis=0) + 1.0
    dinv = lax.rsqrt(jnp.maximum(deg, 1.0))
    dinv_ref[...] = dinv
    m = jnp.dot(x_ref[...], w_ref[...], preferred_element_type=jnp.float32)
    hs_ref[...] = m * dinv[:, None]


def _mm1(xp, W1, degp):
    return pl.pallas_call(
        _mm1_body,
        grid=(2, _NB),
        in_specs=[
            pl.BlockSpec((_BN, 128), lambda h, i: (i, 0)),
            pl.BlockSpec((128, 128), lambda h, i: (0, h)),
            pl.BlockSpec((32, _BN), lambda h, i: (0, i)),
        ],
        out_specs=[
            pl.BlockSpec((_BN, 128), lambda h, i: (h * _NB + i, 0)),
            pl.BlockSpec((_BN,), lambda h, i: (i,)),
        ],
        out_shape=[
            jax.ShapeDtypeStruct((2 * _NP, 128), jnp.float32),
            jax.ShapeDtypeStruct((_NP,), jnp.float32),
        ],
    )(xp, W1, degp)


def _mm2_body(a_ref, b_ref, dinv_ref, b1_ref, w2_ref, out_ref):
    dinv = dinv_ref[...]
    h = jnp.concatenate([a_ref[...], b_ref[...]], axis=1)
    h = jnp.maximum(h * dinv[:, None] + b1_ref[...][None, :], 0.0)
    m = jnp.dot(h, w2_ref[...], preferred_element_type=jnp.float32)
    out_ref[...] = m * dinv[:, None]


def _mm2(agg1, dinv, b1, W2):
    return pl.pallas_call(
        _mm2_body,
        grid=(2, _NB),
        in_specs=[
            pl.BlockSpec((_BN, 128), lambda h, i: (i, 0)),
            pl.BlockSpec((_BN, 128), lambda h, i: (_NB + i, 0)),
            pl.BlockSpec((_BN,), lambda h, i: (i,)),
            pl.BlockSpec((256,), lambda h, i: (0,)),
            pl.BlockSpec((256, 128), lambda h, i: (0, h)),
        ],
        out_specs=pl.BlockSpec((_BN, 128), lambda h, i: (h * _NB + i, 0)),
        out_shape=jax.ShapeDtypeStruct((2 * _NP, 128), jnp.float32),
    )(agg1, agg1, dinv, b1, W2)


def _pool_body(a_ref, b_ref, dinv_ref, b2_ref, batch_ref, wh_ref, bh_ref,
               out_ref, pool, counts):
    i = pl.program_id(0)

    @pl.when(i == 0)
    def _():
        pool[...] = jnp.zeros_like(pool)
        counts[...] = jnp.zeros_like(counts)

    dinv = dinv_ref[...]
    h = jnp.concatenate([a_ref[...], b_ref[...]], axis=1)
    h = jnp.maximum(h * dinv[:, None] + b2_ref[...][None, :], 0.0)
    bids = batch_ref[...]
    gids = lax.broadcasted_iota(jnp.int32, (_G, _BN), 0)
    mask = (gids == bids[None, :]).astype(jnp.float32)
    pool[...] += jnp.dot(mask, h, preferred_element_type=jnp.float32)
    counts[...] += jnp.sum(mask, axis=1, keepdims=True)

    @pl.when(i == _NB - 1)
    def _():
        g = pool[...] / jnp.maximum(counts[...], 1.0)
        out_ref[...] = (jnp.dot(g, wh_ref[...],
                                preferred_element_type=jnp.float32)
                        + bh_ref[...][None, :])


def _pool(agg2, dinv, b2, batchp, Wh, bh):
    return pl.pallas_call(
        _pool_body,
        grid=(_NB,),
        in_specs=[
            pl.BlockSpec((_BN, 128), lambda i: (i, 0)),
            pl.BlockSpec((_BN, 128), lambda i: (_NB + i, 0)),
            pl.BlockSpec((_BN,), lambda i: (i,)),
            pl.BlockSpec((256,), lambda i: (0,)),
            pl.BlockSpec((_BN,), lambda i: (i,)),
            pl.BlockSpec((256, 10), lambda i: (0, 0)),
            pl.BlockSpec((10,), lambda i: (0,)),
        ],
        out_specs=pl.BlockSpec((_G, 10), lambda i: (0, 0)),
        out_shape=jax.ShapeDtypeStruct((_G, 10), jnp.float32),
        scratch_shapes=[
            pltpu.VMEM((_G, 256), jnp.float32),
            pltpu.VMEM((_G, 1), jnp.float32),
        ],
    )(agg2, agg2, dinv, b2, batchp, Wh, bh)


def kernel(x, edge_index, batch, W1, b1, W2, b2, Wh, bh):
    pad = _EPAD - _E
    src = edge_index[0]
    dst = edge_index[1]
    srcp = jnp.concatenate([src, jnp.full((pad,), _NP - 1, jnp.int32)])
    dstp = jnp.concatenate([dst, jnp.full((pad,), _NP - 1, jnp.int32)])
    src2 = jnp.concatenate([srcp, srcp + _NP,
                            jnp.zeros((_K,), jnp.int32)])

    xp = jnp.pad(x, ((0, _NP - _N), (0, 0)))
    batchp = jnp.pad(batch, (0, _NP - _N), constant_values=_G)

    degp = _deg_kernel(dstp)
    hs1, dinv = _mm1(xp, W1, degp)
    agg1 = _scatter_kernel(hs1, src2, dstp)
    hs2 = _mm2(agg1, dinv, b1, W2)
    agg2 = _scatter_kernel(hs2, src2, dstp)
    return _pool(agg2, dinv, b2, batchp, Wh, bh)

# --- scband reference (transcript-rebuilt; emitter-appended) ---
"""Pipeline reference for scband-graph-gcn-71150428225868 (READ-ONLY COPY).

The authoritative reference and input builder live on the scoring server;
editing this copy changes nothing except your own understanding.
"""

import jax, jax.numpy as jnp
import numpy as np

N = 10000
E = 320000
G = 128
IN_DIM = 128
HID = 256
NC = 10


def setup_inputs(seed: int = 0) -> dict:
    key = jax.random.key(seed)
    ks = jax.random.split(key, 9)
    x = jax.random.normal(ks[0], (N, IN_DIM), dtype=jnp.float32)
    edge_index = jax.random.randint(ks[1], (2, E), 0, N, dtype=jnp.int32)
    batch = jnp.sort(jax.random.randint(ks[2], (N,), 0, G, dtype=jnp.int32))
    W1 = jax.random.normal(ks[3], (IN_DIM, HID), dtype=jnp.float32) * 0.05
    b1 = jnp.zeros((HID,), dtype=jnp.float32)
    W2 = jax.random.normal(ks[4], (HID, HID), dtype=jnp.float32) * 0.05
    b2 = jnp.zeros((HID,), dtype=jnp.float32)
    Wh = jax.random.normal(ks[5], (HID, NC), dtype=jnp.float32) * 0.05
    bh = jnp.zeros((NC,), dtype=jnp.float32)
    return {"x": x, "edge_index": edge_index, "batch": batch,
            "W1": W1, "b1": b1, "W2": W2, "b2": b2, "Wh": Wh, "bh": bh}


def _gcn_conv(h, src, dst, norm, W, b):
    # PyG GCNConv: out_i = sum_{j in N(i) U {i}} norm_ij * (x_j @ W) + b
    h = h @ W
    msgs = h[src] * norm[:, None]
    agg = jax.ops.segment_sum(msgs, dst, num_segments=N)
    return agg + b


def reference(x, edge_index, batch, W1, b1, W2, b2, Wh, bh):
    # add self loops (GCNConv default add_self_loops=True)
    loops = jnp.arange(N, dtype=edge_index.dtype)
    src = jnp.concatenate([edge_index[0], loops])
    dst = jnp.concatenate([edge_index[1], loops])
    deg = jax.ops.segment_sum(jnp.ones_like(dst, dtype=jnp.float32), dst, num_segments=N)
    dinv = jax.lax.rsqrt(jnp.clip(deg, 1.0))
    norm = dinv[src] * dinv[dst]

    h = _gcn_conv(x, src, dst, norm, W1, b1)
    h = jax.nn.relu(h)  # dropout = identity at inference
    h = _gcn_conv(h, src, dst, norm, W2, b2)
    h = jax.nn.relu(h)

    # global_mean_pool over graph assignment `batch`
    counts = jax.ops.segment_sum(jnp.ones((N,), dtype=jnp.float32), batch, num_segments=G)
    g = jax.ops.segment_sum(h, batch, num_segments=G) / jnp.clip(counts, 1.0)[:, None]
    return g @ Wh + bh

if __name__ == "__main__":
    import jax
    _d = setup_inputs()
    print(jax.jit(kernel)(*tuple(_d.values())))

</pallas_src>

<mosaic_0001>
#map = affine_map<(d0, d1) -> (0)>
#map1 = affine_map<(d0, d1) -> (0, 0)>
module attributes {stable_mosaic.version = 14 : i64} {
  func.func @_deg_kernel(%arg0: i32, %arg1: i32, %arg2: memref<321536xi32, #tpu.memory_space<hbm>>, %arg3: memref<32x10240xf32, #tpu.memory_space<hbm>>, %arg4: memref<10048xi32, #tpu.memory_space<vmem>>, %arg5: memref<10240xf32, #tpu.memory_space<vmem>>) attributes {dimension_semantics = [#tpu.dimension_semantics<core_parallel>, #tpu.dimension_semantics<subcore_parallel>], iteration_bounds = array<i64: 2, 16>, scalar_prefetch = 0 : i64, scratch_operands = 2 : i64, tpu.core_type = #tpu.core_type<sc_vector_subcore>, window_params = [{transform_indices = #map}, {transform_indices = #map1}]} {
    %mul3A = arith.constant 2 : i32
    %mul3A_0 = arith.muli %arg1, %mul3A : i32
    %add3A = arith.addi %mul3A_0, %arg0 : i32
    %scan3A = arith.constant 0 : i32
    %scan3A_1 = arith.constant 0 : i32
    %scan3A_2 = arith.constant 640 : i32
    %scan3A_3 = arith.addi %scan3A_1, %scan3A_2 : i32
    %scan3A_4 = arith.constant 1 : i32
    scf.for %scan3A_15 = %scan3A_1 to %scan3A_3 step %scan3A_4  : i32 {
      %broadcast_in_dim3A_16 = arith.constant 0.000000e+00 : f32
      %broadcast_in_dim3A_17 = vector.broadcast %broadcast_in_dim3A_16 : f32 to vector<16xf32>
      %mul3A_18 = arith.constant 16 : i32
      %mul3A_19 = arith.muli %scan3A_15, %mul3A_18 : i32
      %swap3A = arith.index_cast %mul3A_19 : i32 to index
      %swap3A_20 = tpu.vector_load %arg5[%swap3A] {strides = array<i32>} : memref<10240xf32, #tpu.memory_space<vmem>>, vector<16xf32>,
      tpu.vector_store %arg5[%swap3A], %broadcast_in_dim3A_17 {strides = array<i32>} : memref<10240xf32, #tpu.memory_space<vmem>>, vector<16xf32>,
    }
    %scan3A_5 = arith.constant 640 : i32
    %mul3A_6 = arith.constant 10048 : i32
    %mul3A_7 = arith.muli %add3A, %mul3A_6 : i32
    "tpu.region"() ({
      %run_scoped3A = tpu.sem_alloc : memref<!tpu.dma_semaphore, #tpu.memory_space<semaphore_mem>>
      %dma_start3A = tpu.memref_slice %arg2[%mul3A_7] : memref<321536xi32, #tpu.memory_space<hbm>> -> memref<10048xi32, #tpu.memory_space<hbm>>
      %dma_start3A_15 = tpu.memref_slice %arg2[%mul3A_7] : memref<321536xi32, #tpu.memory_space<hbm>> -> memref<10048xi32, #tpu.memory_space<hbm>>
      tpu.enqueue_dma source(%dma_start3A_15 : memref<10048xi32, #tpu.memory_space<hbm>>) target(%arg4 : memref<10048xi32, #tpu.memory_space<vmem>>) target_semaphore(%run_scoped3A : memref<!tpu.dma_semaphore, #tpu.memory_space<semaphore_mem>>)
      %dma_wait3A = tpu.memref_slice %arg2[%mul3A_7] : memref<321536xi32, #tpu.memory_space<hbm>> -> memref<10048xi32, #tpu.memory_space<hbm>>
      %dma_wait3A_16 = tpu.memref_slice %arg2[%mul3A_7] : memref<321536xi32, #tpu.memory_space<hbm>> -> memref<10048xi32, #tpu.memory_space<hbm>>
      tpu.wait_dma2 semaphore(%run_scoped3A : memref<!tpu.dma_semaphore, #tpu.memory_space<semaphore_mem>>) src(%dma_wait3A_16 : memref<10048xi32, #tpu.memory_space<hbm>>) dst(%arg4 : memref<10048xi32, #tpu.memory_space<vmem>>)
      tpu.yield
    }) : () -> ()
    %broadcast_in_dim3A = arith.constant 1.000000e+00 : f32
    %broadcast_in_dim3A_8 = vector.broadcast %broadcast_in_dim3A : f32 to vector<16xf32>
    %scan3A_9 = arith.constant 0 : i32
    %scan3A_10 = arith.constant 0 : i32
    %scan3A_11 = arith.constant 628 : i32
    %scan3A_12 = arith.addi %scan3A_10, %scan3A_11 : i32
    %scan3A_13 = arith.constant 1 : i32
    scf.for %scan3A_15 = %scan3A_10 to %scan3A_12 step %scan3A_13  : i32 {
      %mul3A_16 = arith.constant 16 : i32
      %mul3A_17 = arith.muli %scan3A_15, %mul3A_16 : i32
      %get3A = arith.index_cast %mul3A_17 : i32 to index
      %get3A_18 = tpu.vector_load %arg4[%get3A] {strides = array<i32>} : memref<10048xi32, #tpu.memory_space<vmem>>, vector<16xi32>,
      tpu.vector_store_idx %arg5[%get3A_18], %broadcast_in_dim3A_8 {add = true} : memref<10240xf32, #tpu.memory_space<vmem>>[vector<16xi32>], vector<16xf32>,
    }
    %scan3A_14 = arith.constant 628 : i32
    "tpu.region"() ({
      %run_scoped3A = tpu.sem_alloc : memref<!tpu.dma_semaphore, #tpu.memory_space<semaphore_mem>>
      %dma_start3A = arith.constant 0 : i32
      %dma_start3A_15 = tpu.memref_slice %arg3[%add3A, %dma_start3A] : memref<32x10240xf32, #tpu.memory_space<hbm>> -> memref<1x10240xf32, #tpu.memory_space<hbm>>
      %dma_start3A_16 = tpu.memref_squeeze %dma_start3A_15 : memref<1x10240xf32, #tpu.memory_space<hbm>> -> memref<10240xf32, #tpu.memory_space<hbm>>
      %dma_start3A_17 = arith.constant 0 : i32
      %dma_start3A_18 = tpu.memref_slice %arg3[%add3A, %dma_start3A_17] : memref<32x10240xf32, #tpu.memory_space<hbm>> -> memref<1x10240xf32, #tpu.memory_space<hbm>>
      %dma_start3A_19 = tpu.memref_squeeze %dma_start3A_18 : memref<1x10240xf32, #tpu.memory_space<hbm>> -> memref<10240xf32, #tpu.memory_space<hbm>>
      tpu.enqueue_dma source(%arg5 : memref<10240xf32, #tpu.memory_space<vmem>>) target(%dma_start3A_19 : memref<10240xf32, #tpu.memory_space<hbm>>) target_semaphore(%run_scoped3A : memref<!tpu.dma_semaphore, #tpu.memory_space<semaphore_mem>>)
      %dma_wait3A = arith.constant 0 : i32
      %dma_wait3A_20 = tpu.memref_slice %arg3[%add3A, %dma_wait3A] : memref<32x10240xf32, #tpu.memory_space<hbm>> -> memref<1x10240xf32, #tpu.memory_space<hbm>>
      %dma_wait3A_21 = tpu.memref_squeeze %dma_wait3A_20 : memref<1x10240xf32, #tpu.memory_space<hbm>> -> memref<10240xf32, #tpu.memory_space<hbm>>
      %dma_wait3A_22 = arith.constant 0 : i32
      %dma_wait3A_23 = tpu.memref_slice %arg3[%add3A, %dma_wait3A_22] : memref<32x10240xf32, #tpu.memory_space<hbm>> -> memref<1x10240xf32, #tpu.memory_space<hbm>>
      %dma_wait3A_24 = tpu.memref_squeeze %dma_wait3A_23 : memref<1x10240xf32, #tpu.memory_space<hbm>> -> memref<10240xf32, #tpu.memory_space<hbm>>
      tpu.wait_dma2 semaphore(%run_scoped3A : memref<!tpu.dma_semaphore, #tpu.memory_space<semaphore_mem>>) src(%arg5 : memref<10240xf32, #tpu.memory_space<vmem>>) dst(%dma_wait3A_24 : memref<10240xf32, #tpu.memory_space<hbm>>)
      tpu.yield
    }) : () -> ()
    return
  }
}

#map = affine_map<(d0, d1) -> (0, 0)>
#map1 = affine_map<(d0, d1) -> (0)>
module attributes {stable_mosaic.version = 14 : i64} {
  func.func @_scatter_kernel(%arg0: i32, %arg1: i32, %arg2: memref<20480x128xf32, #tpu.memory_space<hbm>>, %arg3: memref<643200xi32, #tpu.memory_space<hbm>>, %arg4: memref<321536xi32, #tpu.memory_space<hbm>>, %arg5: memref<20480x128xf32, #tpu.memory_space<hbm>>, %arg6: memref<10240x128xf32, #tpu.memory_space<vmem_shared>>, %arg7: memref<128xi32, #tpu.memory_space<vmem>>, %arg8: memref<128xi32, #tpu.memory_space<vmem>>, %arg9: memref<128xi32, #tpu.memory_space<vmem>>, %arg10: memref<128xi32, #tpu.memory_space<vmem>>, %arg11: memref<128x128xf32, #tpu.memory_space<vmem>>, %arg12: memref<128x128xf32, #tpu.memory_space<vmem>>, %arg13: memref<!tpu.dma_semaphore, #tpu.memory_space<semaphore_mem>>, %arg14: memref<!tpu.dma_semaphore, #tpu.memory_space<semaphore_mem>>, %arg15: memref<!tpu.dma_semaphore, #tpu.memory_space<semaphore_mem>>, %arg16: memref<!tpu.dma_semaphore, #tpu.memory_space<semaphore_mem>>) attributes {dimension_semantics = [#tpu.dimension_semantics<core_parallel>, #tpu.dimension_semantics<subcore_parallel>], iteration_bounds = array<i64: 2, 16>, scalar_prefetch = 0 : i64, scratch_operands = 11 : i64, tpu.core_type = #tpu.core_type<sc_vector_subcore>, window_params = [{transform_indices = #map}, {transform_indices = #map1}, {transform_indices = #map1}, {transform_indices = #map}]} {
    %scan3A = arith.constant 0 : i32
    %scan3A_0 = arith.constant 0 : i32
    %scan3A_1 = arith.constant 5 : i32
    %scan3A_2 = arith.addi %scan3A_0, %scan3A_1 : i32
    %scan3A_3 = arith.constant 1 : i32
    scf.for %scan3A_34 = %scan3A_0 to %scan3A_2 step %scan3A_3  : i32 {
      %mul3A_35 = arith.constant 10240 : i32
      %mul3A_36 = arith.muli %arg0, %mul3A_35 : i32
      %mul3A_37 = arith.constant 640 : i32
      %mul3A_38 = arith.muli %arg1, %mul3A_37 : i32
      %add3A_39 = arith.addi %mul3A_36, %mul3A_38 : i32
      %mul3A_40 = arith.constant 128 : i32
      %mul3A_41 = arith.muli %scan3A_34, %mul3A_40 : i32
      %add3A_42 = arith.addi %add3A_39, %mul3A_41 : i32
      "tpu.region"() ({
        %run_scoped3A = tpu.sem_alloc : memref<!tpu.dma_semaphore, #tpu.memory_space<semaphore_mem>>
        %dma_start3A_48 = arith.constant 0 : i32
        %dma_start3A_49 = tpu.memref_slice %arg2[%add3A_42, %dma_start3A_48] : memref<20480x128xf32, #tpu.memory_space<hbm>> -> memref<128x128xf32, #tpu.memory_space<hbm>>
        %dma_start3A_50 = arith.constant 0 : i32
        %dma_start3A_51 = tpu.memref_slice %arg2[%add3A_42, %dma_start3A_50] : memref<20480x128xf32, #tpu.memory_space<hbm>> -> memref<128x128xf32, #tpu.memory_space<hbm>>
        tpu.enqueue_dma source(%dma_start3A_51 : memref<128x128xf32, #tpu.memory_space<hbm>>) target(%arg11 : memref<128x128xf32, #tpu.memory_space<vmem>>) target_semaphore(%run_scoped3A : memref<!tpu.dma_semaphore, #tpu.memory_space<semaphore_mem>>)
        %dma_wait3A_52 = arith.constant 0 : i32
        %dma_wait3A_53 = tpu.memref_slice %arg2[%add3A_42, %dma_wait3A_52] : memref<20480x128xf32, #tpu.memory_space<hbm>> -> memref<128x128xf32, #tpu.memory_space<hbm>>
        %dma_wait3A_54 = arith.constant 0 : i32
        %dma_wait3A_55 = tpu.memref_slice %arg2[%add3A_42, %dma_wait3A_54] : memref<20480x128xf32, #tpu.memory_space<hbm>> -> memref<128x128xf32, #tpu.memory_space<hbm>>
        tpu.wait_dma2 semaphore(%run_scoped3A : memref<!tpu.dma_semaphore, #tpu.memory_space<semaphore_mem>>) src(%dma_wait3A_55 : memref<128x128xf32, #tpu.memory_space<hbm>>) dst(%arg11 : memref<128x128xf32, #tpu.memory_space<vmem>>)
        tpu.yield
      }) : () -> ()
      %mul3A_43 = arith.constant 640 : i32
      %mul3A_44 = arith.muli %arg1, %mul3A_43 : i32
      %mul3A_45 = arith.constant 128 : i32
      %mul3A_46 = arith.muli %scan3A_34, %mul3A_45 : i32
      %add3A_47 = arith.addi %mul3A_44, %mul3A_46 : i32
      "tpu.region"() ({
        %run_scoped3A = tpu.sem_alloc : memref<!tpu.dma_semaphore, #tpu.memory_space<semaphore_mem>>
        %dma_start3A_48 = arith.constant 0 : i32
        %dma_start3A_49 = tpu.memref_slice %arg6[%add3A_47, %dma_start3A_48] : memref<10240x128xf32, #tpu.memory_space<vmem_shared>> -> memref<128x128xf32, #tpu.memory_space<vmem_shared>>
        %dma_start3A_50 = arith.constant 0 : i32
        %dma_start3A_51 = tpu.memref_slice %arg6[%add3A_47, %dma_start3A_50] : memref<10240x128xf32, #tpu.memory_space<vmem_shared>> -> memref<128x128xf32, #tpu.memory_space<vmem_shared>>
        tpu.enqueue_dma source(%arg11 : memref<128x128xf32, #tpu.memory_space<vmem>>) target(%dma_start3A_51 : memref<128x128xf32, #tpu.memory_space<vmem_shared>>) target_semaphore(%run_scoped3A : memref<!tpu.dma_semaphore, #tpu.memory_space<semaphore_mem>>)
        %dma_wait3A_52 = arith.constant 0 : i32
        %dma_wait3A_53 = tpu.memref_slice %arg6[%add3A_47, %dma_wait3A_52] : memref<10240x128xf32, #tpu.memory_space<vmem_shared>> -> memref<128x128xf32, #tpu.memory_space<vmem_shared>>
        %dma_wait3A_54 = arith.constant 0 : i32
        %dma_wait3A_55 = tpu.memref_slice %arg6[%add3A_47, %dma_wait3A_54] : memref<10240x128xf32, #tpu.memory_space<vmem_shared>> -> memref<128x128xf32, #tpu.memory_space<vmem_shared>>
        tpu.wait_dma2 semaphore(%run_scoped3A : memref<!tpu.dma_semaphore, #tpu.memory_space<semaphore_mem>>) src(%arg11 : memref<128x128xf32, #tpu.memory_space<vmem>>) dst(%dma_wait3A_55 : memref<128x128xf32, #tpu.memory_space<vmem_shared>>)
        tpu.yield
      }) : () -> ()
    }
    %scan3A_4 = arith.constant 5 : i32
    %barrier3A = arith.constant 0 : index
    tpu.barrier barrier_id(%barrier3A)
    %mul3A = arith.constant 20096 : i32
    %mul3A_5 = arith.muli %arg1, %mul3A : i32
    %mul3A_6 = arith.constant 321536 : i32
    %mul3A_7 = arith.muli %arg0, %mul3A_6 : i32
    %add3A = arith.addi %mul3A_7, %mul3A_5 : i32
    %add3A_8 = arith.constant 0 : i32
    %add3A_9 = arith.addi %add3A, %add3A_8 : i32
    "tpu.region"() ({
      %run_scoped3A = tpu.sem_alloc : memref<!tpu.dma_semaphore, #tpu.memory_space<semaphore_mem>>
      %dma_start3A_34 = tpu.memref_slice %arg3[%add3A_9] : memref<643200xi32, #tpu.memory_space<hbm>> -> memref<128xi32, #tpu.memory_space<hbm>>
      %dma_start3A_35 = tpu.memref_slice %arg3[%add3A_9] : memref<643200xi32, #tpu.memory_space<hbm>> -> memref<128xi32, #tpu.memory_space<hbm>>
      tpu.enqueue_dma source(%dma_start3A_35 : memref<128xi32, #tpu.memory_space<hbm>>) target(%arg7 : memref<128xi32, #tpu.memory_space<vmem>>) target_semaphore(%run_scoped3A : memref<!tpu.dma_semaphore, #tpu.memory_space<semaphore_mem>>)
      %dma_wait3A_36 = tpu.memref_slice %arg3[%add3A_9] : memref<643200xi32, #tpu.memory_space<hbm>> -> memref<128xi32, #tpu.memory_space<hbm>>
      %dma_wait3A_37 = tpu.memref_slice %arg3[%add3A_9] : memref<643200xi32, #tpu.memory_space<hbm>> -> memref<128xi32, #tpu.memory_space<hbm>>
      tpu.wait_dma2 semaphore(%run_scoped3A : memref<!tpu.dma_semaphore, #tpu.memory_space<semaphore_mem>>) src(%dma_wait3A_37 : memref<128xi32, #tpu.memory_space<hbm>>) dst(%arg7 : memref<128xi32, #tpu.memory_space<vmem>>)
      tpu.yield
    }) : () -> ()
    %dma_start3A = arith.constant 0 : i32
    %dma_start3A_10 = arith.constant 0 : i32
    %dma_start3A_11 = tpu.memref_slice %arg2[%dma_start3A, %dma_start3A_10] : memref<20480x128xf32, #tpu.memory_space<hbm>> -> memref<20480x128xf32, #tpu.memory_space<hbm>>
    tpu.enqueue_indirect_dma source(%dma_start3A_11 : memref<20480x128xf32, #tpu.memory_space<hbm>>) target(%arg11 : memref<128x128xf32, #tpu.memory_space<vmem>>) offsets(%arg7 : memref<128xi32, #tpu.memory_space<vmem>>) semaphore(%arg13 : memref<!tpu.dma_semaphore, #tpu.memory_space<semaphore_mem>>)
    %mul3A_12 = arith.constant 321536 : i32
    %mul3A_13 = arith.muli %arg0, %mul3A_12 : i32
    %add3A_14 = arith.addi %mul3A_13, %mul3A_5 : i32
    %add3A_15 = arith.constant 128 : i32
    %add3A_16 = arith.addi %add3A_14, %add3A_15 : i32
    "tpu.region"() ({
      %run_scoped3A = tpu.sem_alloc : memref<!tpu.dma_semaphore, #tpu.memory_space<semaphore_mem>>
      %dma_start3A_34 = tpu.memref_slice %arg3[%add3A_16] : memref<643200xi32, #tpu.memory_space<hbm>> -> memref<128xi32, #tpu.memory_space<hbm>>
      %dma_start3A_35 = tpu.memref_slice %arg3[%add3A_16] : memref<643200xi32, #tpu.memory_space<hbm>> -> memref<128xi32, #tpu.memory_space<hbm>>
      tpu.enqueue_dma source(%dma_start3A_35 : memref<128xi32, #tpu.memory_space<hbm>>) target(%arg8 : memref<128xi32, #tpu.memory_space<vmem>>) target_semaphore(%run_scoped3A : memref<!tpu.dma_semaphore, #tpu.memory_space<semaphore_mem>>)
      %dma_wait3A_36 = tpu.memref_slice %arg3[%add3A_16] : memref<643200xi32, #tpu.memory_space<hbm>> -> memref<128xi32, #tpu.memory_space<hbm>>
      %dma_wait3A_37 = tpu.memref_slice %arg3[%add3A_16] : memref<643200xi32, #tpu.memory_space<hbm>> -> memref<128xi32, #tpu.memory_space<hbm>>
      tpu.wait_dma2 semaphore(%run_scoped3A : memref<!tpu.dma_semaphore, #tpu.memory_space<semaphore_mem>>) src(%dma_wait3A_37 : memref<128xi32, #tpu.memory_space<hbm>>) dst(%arg8 : memref<128xi32, #tpu.memory_space<vmem>>)
      tpu.yield
    }) : () -> ()
    %scan3A_17 = arith.constant 0 : i32
    %scan3A_18 = arith.constant 0 : i32
    %scan3A_19 = arith.constant 78 : i32
    %scan3A_20 = arith.addi %scan3A_18, %scan3A_19 : i32
    %scan3A_21 = arith.constant 1 : i32
    scf.for %scan3A_34 = %scan3A_18 to %scan3A_20 step %scan3A_21  : i32 {
      %mul3A_35 = arith.constant 2 : i32
      %mul3A_36 = arith.muli %mul3A_35, %scan3A_34 : i32
      %mul3A_37 = arith.constant 128 : i32
      %mul3A_38 = arith.muli %mul3A_36, %mul3A_37 : i32
      %add3A_39 = arith.addi %mul3A_5, %mul3A_38 : i32
      "tpu.region"() ({
        %run_scoped3A = tpu.sem_alloc : memref<!tpu.dma_semaphore, #tpu.memory_space<semaphore_mem>>
        %dma_start3A_81 = tpu.memref_slice %arg4[%add3A_39] : memref<321536xi32, #tpu.memory_space<hbm>> -> memref<128xi32, #tpu.memory_space<hbm>>
        %dma_start3A_82 = tpu.memref_slice %arg4[%add3A_39] : memref<321536xi32, #tpu.memory_space<hbm>> -> memref<128xi32, #tpu.memory_space<hbm>>
        tpu.enqueue_dma source(%dma_start3A_82 : memref<128xi32, #tpu.memory_space<hbm>>) target(%arg9 : memref<128xi32, #tpu.memory_space<vmem>>) target_semaphore(%run_scoped3A : memref<!tpu.dma_semaphore, #tpu.memory_space<semaphore_mem>>)
        %dma_wait3A_83 = tpu.memref_slice %arg4[%add3A_39] : memref<321536xi32, #tpu.memory_space<hbm>> -> memref<128xi32, #tpu.memory_space<hbm>>
        %dma_wait3A_84 = tpu.memref_slice %arg4[%add3A_39] : memref<321536xi32, #tpu.memory_space<hbm>> -> memref<128xi32, #tpu.memory_space<hbm>>
        tpu.wait_dma2 semaphore(%run_scoped3A : memref<!tpu.dma_semaphore, #tpu.memory_space<semaphore_mem>>) src(%dma_wait3A_84 : memref<128xi32, #tpu.memory_space<hbm>>) dst(%arg9 : memref<128xi32, #tpu.memory_space<vmem>>)
        tpu.yield
      }) : () -> ()
      %dma_wait3A_40 = arith.constant 0 : i32
      %dma_wait3A_41 = arith.constant 0 : i32
      %dma_wait3A_42 = tpu.memref_slice %arg2[%dma_wait3A_40, %dma_wait3A_41] : memref<20480x128xf32, #tpu.memory_space<hbm>> -> memref<20480x128xf32, #tpu.memory_space<hbm>>
      tpu.wait_indirect_dma semaphore(%arg13 : memref<!tpu.dma_semaphore, #tpu.memory_space<semaphore_mem>>) src(%dma_wait3A_42 : memref<20480x128xf32, #tpu.memory_space<hbm>>) dst(%arg11 : memref<128x128xf32, #tpu.memory_space<vmem>>)
      %dma_start3A_43 = arith.constant 0 : i32
      %dma_start3A_44 = arith.constant 0 : i32
      %dma_start3A_45 = tpu.memref_slice %arg2[%dma_start3A_43, %dma_start3A_44] : memref<20480x128xf32, #tpu.memory_space<hbm>> -> memref<20480x128xf32, #tpu.memory_space<hbm>>
      tpu.enqueue_indirect_dma source(%dma_start3A_45 : memref<20480x128xf32, #tpu.memory_space<hbm>>) target(%arg12 : memref<128x128xf32, #tpu.memory_space<vmem>>) offsets(%arg8 : memref<128xi32, #tpu.memory_space<vmem>>) semaphore(%arg14 : memref<!tpu.dma_semaphore, #tpu.memory_space<semaphore_mem>>)
      %add3A_46 = arith.constant 2 : i32
      %add3A_47 = arith.addi %mul3A_36, %add3A_46 : i32
      %mul3A_48 = arith.constant 321536 : i32
      %mul3A_49 = arith.muli %arg0, %mul3A_48 : i32
      %add3A_50 = arith.addi %mul3A_49, %mul3A_5 : i32
      %mul3A_51 = arith.constant 128 : i32
      %mul3A_52 = arith.muli %add3A_47, %mul3A_51 : i32
      %add3A_53 = arith.addi %add3A_50, %mul3A_52 : i32
      %dma_start3A_54 = tpu.memref_slice %arg3[%add3A_53] : memref<643200xi32, #tpu.memory_space<hbm>> -> memref<128xi32, #tpu.memory_space<hbm>>
      %dma_start3A_55 = tpu.memref_slice %arg3[%add3A_53] : memref<643200xi32, #tpu.memory_space<hbm>> -> memref<128xi32, #tpu.memory_space<hbm>>
      tpu.enqueue_dma source(%dma_start3A_55 : memref<128xi32, #tpu.memory_space<hbm>>) target(%arg7 : memref<128xi32, #tpu.memory_space<vmem>>) target_semaphore(%arg15 : memref<!tpu.dma_semaphore, #tpu.memory_space<semaphore_mem>>)
      "tpu.region"() ({
        %run_scoped3A = tpu.sem_alloc : memref<!tpu.dma_semaphore, #tpu.memory_space<semaphore_mem>>
        %dma_start3A_81 = arith.constant 0 : i32
        %dma_start3A_82 = arith.constant 0 : i32
        %dma_start3A_83 = tpu.memref_slice %arg6[%dma_start3A_81, %dma_start3A_82] : memref<10240x128xf32, #tpu.memory_space<vmem_shared>> -> memref<10240x128xf32, #tpu.memory_space<vmem_shared>>
        tpu.enqueue_indirect_dma source(%arg11 : memref<128x128xf32, #tpu.memory_space<vmem>>) target(%dma_start3A_83 : memref<10240x128xf32, #tpu.memory_space<vmem_shared>>) offsets(%arg9 : memref<128xi32, #tpu.memory_space<vmem>>) semaphore(%run_scoped3A : memref<!tpu.dma_semaphore, #tpu.memory_space<semaphore_mem>>) {add = true}
        %dma_wait3A_84 = arith.constant 0 : i32
        %dma_wait3A_85 = arith.constant 0 : i32
        %dma_wait3A_86 = tpu.memref_slice %arg6[%dma_wait3A_84, %dma_wait3A_85] : memref<10240x128xf32, #tpu.memory_space<vmem_shared>> -> memref<10240x128xf32, #tpu.memory_space<vmem_shared>>
        tpu.wait_indirect_dma semaphore(%run_scoped3A : memref<!tpu.dma_semaphore, #tpu.memory_space<semaphore_mem>>) src(%arg11 : memref<128x128xf32, #tpu.memory_space<vmem>>) dst(%dma_wait3A_86 : memref<10240x128xf32, #tpu.memory_space<vmem_shared>>)
        tpu.yield
      }) : () -> ()
      %add3A_56 = arith.constant 1 : i32
      %add3A_57 = arith.addi %mul3A_36, %add3A_56 : i32
      %mul3A_58 = arith.constant 128 : i32
      %mul3A_59 = arith.muli %add3A_57, %mul3A_58 : i32
      %add3A_60 = arith.addi %mul3A_5, %mul3A_59 : i32
      "tpu.region"() ({
        %run_scoped3A = tpu.sem_alloc : memref<!tpu.dma_semaphore, #tpu.memory_space<semaphore_mem>>
        %dma_start3A_81 = tpu.memref_slice %arg4[%add3A_60] : memref<321536xi32, #tpu.memory_space<hbm>> -> memref<128xi32, #tpu.memory_space<hbm>>
        %dma_start3A_82 = tpu.memref_slice %arg4[%add3A_60] : memref<321536xi32, #tpu.memory_space<hbm>> -> memref<128xi32, #tpu.memory_space<hbm>>
        tpu.enqueue_dma source(%dma_start3A_82 : memref<128xi32, #tpu.memory_space<hbm>>) target(%arg10 : memref<128xi32, #tpu.memory_space<vmem>>) target_semaphore(%run_scoped3A : memref<!tpu.dma_semaphore, #tpu.memory_space<semaphore_mem>>)
        %dma_wait3A_83 = tpu.memref_slice %arg4[%add3A_60] : memref<321536xi32, #tpu.memory_space<hbm>> -> memref<128xi32, #tpu.memory_space<hbm>>
        %dma_wait3A_84 = tpu.memref_slice %arg4[%add3A_60] : memref<321536xi32, #tpu.memory_space<hbm>> -> memref<128xi32, #tpu.memory_space<hbm>>
        tpu.wait_dma2 semaphore(%run_scoped3A : memref<!tpu.dma_semaphore, #tpu.memory_space<semaphore_mem>>) src(%dma_wait3A_84 : memref<128xi32, #tpu.memory_space<hbm>>) dst(%arg10 : memref<128xi32, #tpu.memory_space<vmem>>)
        tpu.yield
      }) : () -> ()
      %dma_wait3A_61 = arith.constant 0 : i32
      %dma_wait3A_62 = arith.constant 0 : i32
      %dma_wait3A_63 = tpu.memref_slice %arg2[%dma_wait3A_61, %dma_wait3A_62] : memref<20480x128xf32, #tpu.memory_space<hbm>> -> memref<20480x128xf32, #tpu.memory_space<hbm>>
      tpu.wait_indirect_dma semaphore(%arg14 : memref<!tpu.dma_semaphore, #tpu.memory_space<semaphore_mem>>) src(%dma_wait3A_63 : memref<20480x128xf32, #tpu.memory_space<hbm>>) dst(%arg12 : memref<128x128xf32, #tpu.memory_space<vmem>>)
      %dma_wait3A_64 = tpu.memref_slice %arg3[%add3A_53] : memref<643200xi32, #tpu.memory_space<hbm>> -> memref<128xi32, #tpu.memory_space<hbm>>
      %dma_wait3A_65 = tpu.memref_slice %arg3[%add3A_53] : memref<643200xi32, #tpu.memory_space<hbm>> -> memref<128xi32, #tpu.memory_space<hbm>>
      tpu.wait_dma2 semaphore(%arg15 : memref<!tpu.dma_semaphore, #tpu.memory_space<semaphore_mem>>) src(%dma_wait3A_65 : memref<128xi32, #tpu.memory_space<hbm>>) dst(%arg7 : memref<128xi32, #tpu.memory_space<vmem>>)
      %dma_start3A_66 = arith.constant 0 : i32
      %dma_start3A_67 = arith.constant 0 : i32
      %dma_start3A_68 = tpu.memref_slice %arg2[%dma_start3A_66, %dma_start3A_67] : memref<20480x128xf32, #tpu.memory_space<hbm>> -> memref<20480x128xf32, #tpu.memory_space<hbm>>
      tpu.enqueue_indirect_dma source(%dma_start3A_68 : memref<20480x128xf32, #tpu.memory_space<hbm>>) target(%arg11 : memref<128x128xf32, #tpu.memory_space<vmem>>) offsets(%arg7 : memref<128xi32, #tpu.memory_space<vmem>>) semaphore(%arg13 : memref<!tpu.dma_semaphore, #tpu.memory_space<semaphore_mem>>)
      %add3A_69 = arith.constant 3 : i32
      %add3A_70 = arith.addi %mul3A_36, %add3A_69 : i32
      %mul3A_71 = arith.constant 321536 : i32
      %mul3A_72 = arith.muli %arg0, %mul3A_71 : i32
      %add3A_73 = arith.addi %mul3A_72, %mul3A_5 : i32
      %mul3A_74 = arith.constant 128 : i32
      %mul3A_75 = arith.muli %add3A_70, %mul3A_74 : i32
      %add3A_76 = arith.addi %add3A_73, %mul3A_75 : i32
      %dma_start3A_77 = tpu.memref_slice %arg3[%add3A_76] : memref<643200xi32, #tpu.memory_space<hbm>> -> memref<128xi32, #tpu.memory_space<hbm>>
      %dma_start3A_78 = tpu.memref_slice %arg3[%add3A_76] : memref<643200xi32, #tpu.memory_space<hbm>> -> memref<128xi32, #tpu.memory_space<hbm>>
      tpu.enqueue_dma source(%dma_start3A_78 : memref<128xi32, #tpu.memory_space<hbm>>) target(%arg8 : memref<128xi32, #tpu.memory_space<vmem>>) target_semaphore(%arg16 : memref<!tpu.dma_semaphore, #tpu.memory_space<semaphore_mem>>)
      "tpu.region"() ({
        %run_scoped3A = tpu.sem_alloc : memref<!tpu.dma_semaphore, #tpu.memory_space<semaphore_mem>>
        %dma_start3A_81 = arith.constant 0 : i32
        %dma_start3A_82 = arith.constant 0 : i32
        %dma_start3A_83 = tpu.memref_slice %arg6[%dma_start3A_81, %dma_start3A_82] : memref<10240x128xf32, #tpu.memory_space<vmem_shared>> -> memref<10240x128xf32, #tpu.memory_space<vmem_shared>>
        tpu.enqueue_indirect_dma source(%arg12 : memref<128x128xf32, #tpu.memory_space<vmem>>) target(%dma_start3A_83 : memref<10240x128xf32, #tpu.memory_space<vmem_shared>>) offsets(%arg10 : memref<128xi32, #tpu.memory_space<vmem>>) semaphore(%run_scoped3A : memref<!tpu.dma_semaphore, #tpu.memory_space<semaphore_mem>>) {add = true}
        %dma_wait3A_84 = arith.constant 0 : i32
        %dma_wait3A_85 = arith.constant 0 : i32
        %dma_wait3A_86 = tpu.memref_slice %arg6[%dma_wait3A_84, %dma_wait3A_85] : memref<10240x128xf32, #tpu.memory_space<vmem_shared>> -> memref<10240x128xf32, #tpu.memory_space<vmem_shared>>
        tpu.wait_indirect_dma semaphore(%run_scoped3A : memref<!tpu.dma_semaphore, #tpu.memory_space<semaphore_mem>>) src(%arg12 : memref<128x128xf32, #tpu.memory_space<vmem>>) dst(%dma_wait3A_86 : memref<10240x128xf32, #tpu.memory_space<vmem_shared>>)
        tpu.yield
      }) : () -> ()
      %dma_wait3A_79 = tpu.memref_slice %arg3[%add3A_76] : memref<643200xi32, #tpu.memory_space<hbm>> -> memref<128xi32, #tpu.memory_space<hbm>>
      %dma_wait3A_80 = tpu.memref_slice %arg3[%add3A_76] : memref<643200xi32, #tpu.memory_space<hbm>> -> memref<128xi32, #tpu.memory_space<hbm>>
      tpu.wait_dma2 semaphore(%arg16 : memref<!tpu.dma_semaphore, #tpu.memory_space<semaphore_mem>>) src(%dma_wait3A_80 : memref<128xi32, #tpu.memory_space<hbm>>) dst(%arg8 : memref<128xi32, #tpu.memory_space<vmem>>)
    }
    %scan3A_22 = arith.constant 78 : i32
    %add3A_23 = arith.constant 19968 : i32
    %add3A_24 = arith.addi %mul3A_5, %add3A_23 : i32
    "tpu.region"() ({
      %run_scoped3A = tpu.sem_alloc : memref<!tpu.dma_semaphore, #tpu.memory_space<semaphore_mem>>
      %dma_start3A_34 = tpu.memref_slice %arg4[%add3A_24] : memref<321536xi32, #tpu.memory_space<hbm>> -> memref<128xi32, #tpu.memory_space<hbm>>
      %dma_start3A_35 = tpu.memref_slice %arg4[%add3A_24] : memref<321536xi32, #tpu.memory_space<hbm>> -> memref<128xi32, #tpu.memory_space<hbm>>
      tpu.enqueue_dma source(%dma_start3A_35 : memref<128xi32, #tpu.memory_space<hbm>>) target(%arg9 : memref<128xi32, #tpu.memory_space<vmem>>) target_semaphore(%run_scoped3A : memref<!tpu.dma_semaphore, #tpu.memory_space<semaphore_mem>>)
      %dma_wait3A_36 = tpu.memref_slice %arg4[%add3A_24] : memref<321536xi32, #tpu.memory_space<hbm>> -> memref<128xi32, #tpu.memory_space<hbm>>
      %dma_wait3A_37 = tpu.memref_slice %arg4[%add3A_24] : memref<321536xi32, #tpu.memory_space<hbm>> -> memref<128xi32, #tpu.memory_space<hbm>>
      tpu.wait_dma2 semaphore(%run_scoped3A : memref<!tpu.dma_semaphore, #tpu.memory_space<semaphore_mem>>) src(%dma_wait3A_37 : memref<128xi32, #tpu.memory_space<hbm>>) dst(%arg9 : memref<128xi32, #tpu.memory_space<vmem>>)
      tpu.yield
    }) : () -> ()
    %dma_wait3A = arith.constant 0 : i32
    %dma_wait3A_25 = arith.constant 0 : i32
    %dma_wait3A_26 = tpu.memref_slice %arg2[%dma_wait3A, %dma_wait3A_25] : memref<20480x128xf32, #tpu.memory_space<hbm>> -> memref<20480x128xf32, #tpu.memory_space<hbm>>
    tpu.wait_indirect_dma semaphore(%arg13 : memref<!tpu.dma_semaphore, #tpu.memory_space<semaphore_mem>>) src(%dma_wait3A_26 : memref<20480x128xf32, #tpu.memory_space<hbm>>) dst(%arg11 : memref<128x128xf32, #tpu.memory_space<vmem>>)
    "tpu.region"() ({
      %run_scoped3A = tpu.sem_alloc : memref<!tpu.dma_semaphore, #tpu.memory_space<semaphore_mem>>
      %dma_start3A_34 = arith.constant 0 : i32
      %dma_start3A_35 = arith.constant 0 : i32
      %dma_start3A_36 = tpu.memref_slice %arg6[%dma_start3A_34, %dma_start3A_35] : memref<10240x128xf32, #tpu.memory_space<vmem_shared>> -> memref<10240x128xf32, #tpu.memory_space<vmem_shared>>
      tpu.enqueue_indirect_dma source(%arg11 : memref<128x128xf32, #tpu.memory_space<vmem>>) target(%dma_start3A_36 : memref<10240x128xf32, #tpu.memory_space<vmem_shared>>) offsets(%arg9 : memref<128xi32, #tpu.memory_space<vmem>>) semaphore(%run_scoped3A : memref<!tpu.dma_semaphore, #tpu.memory_space<semaphore_mem>>) {add = true}
      %dma_wait3A_37 = arith.constant 0 : i32
      %dma_wait3A_38 = arith.constant 0 : i32
      %dma_wait3A_39 = tpu.memref_slice %arg6[%dma_wait3A_37, %dma_wait3A_38] : memref<10240x128xf32, #tpu.memory_space<vmem_shared>> -> memref<10240x128xf32, #tpu.memory_space<vmem_shared>>
      tpu.wait_indirect_dma semaphore(%run_scoped3A : memref<!tpu.dma_semaphore, #tpu.memory_space<semaphore_mem>>) src(%arg11 : memref<128x128xf32, #tpu.memory_space<vmem>>) dst(%dma_wait3A_39 : memref<10240x128xf32, #tpu.memory_space<vmem_shared>>)
      tpu.yield
    }) : () -> ()
    %barrier3A_27 = arith.constant 0 : index
    tpu.barrier barrier_id(%barrier3A_27)
    %scan3A_28 = arith.constant 0 : i32
    %scan3A_29 = arith.constant 0 : i32
    %scan3A_30 = arith.constant 5 : i32
    %scan3A_31 = arith.addi %scan3A_29, %scan3A_30 : i32
    %scan3A_32 = arith.constant 1 : i32
    scf.for %scan3A_34 = %scan3A_29 to %scan3A_31 step %scan3A_32  : i32 {
      %mul3A_35 = arith.constant 640 : i32
      %mul3A_36 = arith.muli %arg1, %mul3A_35 : i32
      %mul3A_37 = arith.constant 128 : i32
      %mul3A_38 = arith.muli %scan3A_34, %mul3A_37 : i32
      %add3A_39 = arith.addi %mul3A_36, %mul3A_38 : i32
      "tpu.region"() ({
        %run_scoped3A = tpu.sem_alloc : memref<!tpu.dma_semaphore, #tpu.memory_space<semaphore_mem>>
        %dma_start3A_48 = arith.constant 0 : i32
        %dma_start3A_49 = tpu.memref_slice %arg6[%add3A_39, %dma_start3A_48] : memref<10240x128xf32, #tpu.memory_space<vmem_shared>> -> memref<128x128xf32, #tpu.memory_space<vmem_shared>>
        %dma_start3A_50 = arith.constant 0 : i32
        %dma_start3A_51 = tpu.memref_slice %arg6[%add3A_39, %dma_start3A_50] : memref<10240x128xf32, #tpu.memory_space<vmem_shared>> -> memref<128x128xf32, #tpu.memory_space<vmem_shared>>
        tpu.enqueue_dma source(%dma_start3A_51 : memref<128x128xf32, #tpu.memory_space<vmem_shared>>) target(%arg11 : memref<128x128xf32, #tpu.memory_space<vmem>>) target_semaphore(%run_scoped3A : memref<!tpu.dma_semaphore, #tpu.memory_space<semaphore_mem>>)
        %dma_wait3A_52 = arith.constant 0 : i32
        %dma_wait3A_53 = tpu.memref_slice %arg6[%add3A_39, %dma_wait3A_52] : memref<10240x128xf32, #tpu.memory_space<vmem_shared>> -> memref<128x128xf32, #tpu.memory_space<vmem_shared>>
        %dma_wait3A_54 = arith.constant 0 : i32
        %dma_wait3A_55 = tpu.memref_slice %arg6[%add3A_39, %dma_wait3A_54] : memref<10240x128xf32, #tpu.memory_space<vmem_shared>> -> memref<128x128xf32, #tpu.memory_space<vmem_shared>>
        tpu.wait_dma2 semaphore(%run_scoped3A : memref<!tpu.dma_semaphore, #tpu.memory_space<semaphore_mem>>) src(%dma_wait3A_55 : memref<128x128xf32, #tpu.memory_space<vmem_shared>>) dst(%arg11 : memref<128x128xf32, #tpu.memory_space<vmem>>)
        tpu.yield
      }) : () -> ()
      %mul3A_40 = arith.constant 10240 : i32
      %mul3A_41 = arith.muli %arg0, %mul3A_40 : i32
      %mul3A_42 = arith.constant 640 : i32
      %mul3A_43 = arith.muli %arg1, %mul3A_42 : i32
      %add3A_44 = arith.addi %mul3A_41, %mul3A_43 : i32
      %mul3A_45 = arith.constant 128 : i32
      %mul3A_46 = arith.muli %scan3A_34, %mul3A_45 : i32
      %add3A_47 = arith.addi %add3A_44, %mul3A_46 : i32
      "tpu.region"() ({
        %run_scoped3A = tpu.sem_alloc : memref<!tpu.dma_semaphore, #tpu.memory_space<semaphore_mem>>
        %dma_start3A_48 = arith.constant 0 : i32
        %dma_start3A_49 = tpu.memref_slice %arg5[%add3A_47, %dma_start3A_48] : memref<20480x128xf32, #tpu.memory_space<hbm>> -> memref<128x128xf32, #tpu.memory_space<hbm>>
        %dma_start3A_50 = arith.constant 0 : i32
        %dma_start3A_51 = tpu.memref_slice %arg5[%add3A_47, %dma_start3A_50] : memref<20480x128xf32, #tpu.memory_space<hbm>> -> memref<128x128xf32, #tpu.memory_space<hbm>>
        tpu.enqueue_dma source(%arg11 : memref<128x128xf32, #tpu.memory_space<vmem>>) target(%dma_start3A_51 : memref<128x128xf32, #tpu.memory_space<hbm>>) target_semaphore(%run_scoped3A : memref<!tpu.dma_semaphore, #tpu.memory_space<semaphore_mem>>)
        %dma_wait3A_52 = arith.constant 0 : i32
        %dma_wait3A_53 = tpu.memref_slice %arg5[%add3A_47, %dma_wait3A_52] : memref<20480x128xf32, #tpu.memory_space<hbm>> -> memref<128x128xf32, #tpu.memory_space<hbm>>
        %dma_wait3A_54 = arith.constant 0 : i32
        %dma_wait3A_55 = tpu.memref_slice %arg5[%add3A_47, %dma_wait3A_54] : memref<20480x128xf32, #tpu.memory_space<hbm>> -> memref<128x128xf32, #tpu.memory_space<hbm>>
        tpu.wait_dma2 semaphore(%run_scoped3A : memref<!tpu.dma_semaphore, #tpu.memory_space<semaphore_mem>>) src(%arg11 : memref<128x128xf32, #tpu.memory_space<vmem>>) dst(%dma_wait3A_55 : memref<128x128xf32, #tpu.memory_space<hbm>>)
        tpu.yield
      }) : () -> ()
    }
    %scan3A_33 = arith.constant 5 : i32
    return
  }
}

#map = affine_map<(d0, d1) -> (0, 0)>
#map1 = affine_map<(d0, d1) -> (0)>
module attributes {stable_mosaic.version = 14 : i64} {
  func.func @_scatter_kernel(%arg0: i32, %arg1: i32, %arg2: memref<20480x128xf32, #tpu.memory_space<hbm>>, %arg3: memref<643200xi32, #tpu.memory_space<hbm>>, %arg4: memref<321536xi32, #tpu.memory_space<hbm>>, %arg5: memref<20480x128xf32, #tpu.memory_space<hbm>>, %arg6: memref<10240x128xf32, #tpu.memory_space<vmem_shared>>, %arg7: memref<128xi32, #tpu.memory_space<vmem>>, %arg8: memref<128xi32, #tpu.memory_space<vmem>>, %arg9: memref<128xi32, #tpu.memory_space<vmem>>, %arg10: memref<128xi32, #tpu.memory_space<vmem>>, %arg11: memref<128x128xf32, #tpu.memory_space<vmem>>, %arg12: memref<128x128xf32, #tpu.memory_space<vmem>>, %arg13: memref<!tpu.dma_semaphore, #tpu.memory_space<semaphore_mem>>, %arg14: memref<!tpu.dma_semaphore, #tpu.memory_space<semaphore_mem>>, %arg15: memref<!tpu.dma_semaphore, #tpu.memory_space<semaphore_mem>>, %arg16: memref<!tpu.dma_semaphore, #tpu.memory_space<semaphore_mem>>) attributes {dimension_semantics = [#tpu.dimension_semantics<core_parallel>, #tpu.dimension_semantics<subcore_parallel>], iteration_bounds = array<i64: 2, 16>, scalar_prefetch = 0 : i64, scratch_operands = 11 : i64, tpu.core_type = #tpu.core_type<sc_vector_subcore>, window_params = [{transform_indices = #map}, {transform_indices = #map1}, {transform_indices = #map1}, {transform_indices = #map}]} {
    %scan3A = arith.constant 0 : i32
    %scan3A_0 = arith.constant 0 : i32
    %scan3A_1 = arith.constant 5 : i32
    %scan3A_2 = arith.addi %scan3A_0, %scan3A_1 : i32
    %scan3A_3 = arith.constant 1 : i32
    scf.for %scan3A_34 = %scan3A_0 to %scan3A_2 step %scan3A_3  : i32 {
      %mul3A_35 = arith.constant 10240 : i32
      %mul3A_36 = arith.muli %arg0, %mul3A_35 : i32
      %mul3A_37 = arith.constant 640 : i32
      %mul3A_38 = arith.muli %arg1, %mul3A_37 : i32
      %add3A_39 = arith.addi %mul3A_36, %mul3A_38 : i32
      %mul3A_40 = arith.constant 128 : i32
      %mul3A_41 = arith.muli %scan3A_34, %mul3A_40 : i32
      %add3A_42 = arith.addi %add3A_39, %mul3A_41 : i32
      "tpu.region"() ({
        %run_scoped3A = tpu.sem_alloc : memref<!tpu.dma_semaphore, #tpu.memory_space<semaphore_mem>>
        %dma_start3A_48 = arith.constant 0 : i32
        %dma_start3A_49 = tpu.memref_slice %arg2[%add3A_42, %dma_start3A_48] : memref<20480x128xf32, #tpu.memory_space<hbm>> -> memref<128x128xf32, #tpu.memory_space<hbm>>
        %dma_start3A_50 = arith.constant 0 : i32
        %dma_start3A_51 = tpu.memref_slice %arg2[%add3A_42, %dma_start3A_50] : memref<20480x128xf32, #tpu.memory_space<hbm>> -> memref<128x128xf32, #tpu.memory_space<hbm>>
        tpu.enqueue_dma source(%dma_start3A_51 : memref<128x128xf32, #tpu.memory_space<hbm>>) target(%arg11 : memref<128x128xf32, #tpu.memory_space<vmem>>) target_semaphore(%run_scoped3A : memref<!tpu.dma_semaphore, #tpu.memory_space<semaphore_mem>>)
        %dma_wait3A_52 = arith.constant 0 : i32
        %dma_wait3A_53 = tpu.memref_slice %arg2[%add3A_42, %dma_wait3A_52] : memref<20480x128xf32, #tpu.memory_space<hbm>> -> memref<128x128xf32, #tpu.memory_space<hbm>>
        %dma_wait3A_54 = arith.constant 0 : i32
        %dma_wait3A_55 = tpu.memref_slice %arg2[%add3A_42, %dma_wait3A_54] : memref<20480x128xf32, #tpu.memory_space<hbm>> -> memref<128x128xf32, #tpu.memory_space<hbm>>
        tpu.wait_dma2 semaphore(%run_scoped3A : memref<!tpu.dma_semaphore, #tpu.memory_space<semaphore_mem>>) src(%dma_wait3A_55 : memref<128x128xf32, #tpu.memory_space<hbm>>) dst(%arg11 : memref<128x128xf32, #tpu.memory_space<vmem>>)
        tpu.yield
      }) : () -> ()
      %mul3A_43 = arith.constant 640 : i32
      %mul3A_44 = arith.muli %arg1, %mul3A_43 : i32
      %mul3A_45 = arith.constant 128 : i32
      %mul3A_46 = arith.muli %scan3A_34, %mul3A_45 : i32
      %add3A_47 = arith.addi %mul3A_44, %mul3A_46 : i32
      "tpu.region"() ({
        %run_scoped3A = tpu.sem_alloc : memref<!tpu.dma_semaphore, #tpu.memory_space<semaphore_mem>>
        %dma_start3A_48 = arith.constant 0 : i32
        %dma_start3A_49 = tpu.memref_slice %arg6[%add3A_47, %dma_start3A_48] : memref<10240x128xf32, #tpu.memory_space<vmem_shared>> -> memref<128x128xf32, #tpu.memory_space<vmem_shared>>
        %dma_start3A_50 = arith.constant 0 : i32
        %dma_start3A_51 = tpu.memref_slice %arg6[%add3A_47, %dma_start3A_50] : memref<10240x128xf32, #tpu.memory_space<vmem_shared>> -> memref<128x128xf32, #tpu.memory_space<vmem_shared>>
        tpu.enqueue_dma source(%arg11 : memref<128x128xf32, #tpu.memory_space<vmem>>) target(%dma_start3A_51 : memref<128x128xf32, #tpu.memory_space<vmem_shared>>) target_semaphore(%run_scoped3A : memref<!tpu.dma_semaphore, #tpu.memory_space<semaphore_mem>>)
        %dma_wait3A_52 = arith.constant 0 : i32
        %dma_wait3A_53 = tpu.memref_slice %arg6[%add3A_47, %dma_wait3A_52] : memref<10240x128xf32, #tpu.memory_space<vmem_shared>> -> memref<128x128xf32, #tpu.memory_space<vmem_shared>>
        %dma_wait3A_54 = arith.constant 0 : i32
        %dma_wait3A_55 = tpu.memref_slice %arg6[%add3A_47, %dma_wait3A_54] : memref<10240x128xf32, #tpu.memory_space<vmem_shared>> -> memref<128x128xf32, #tpu.memory_space<vmem_shared>>
        tpu.wait_dma2 semaphore(%run_scoped3A : memref<!tpu.dma_semaphore, #tpu.memory_space<semaphore_mem>>) src(%arg11 : memref<128x128xf32, #tpu.memory_space<vmem>>) dst(%dma_wait3A_55 : memref<128x128xf32, #tpu.memory_space<vmem_shared>>)
        tpu.yield
      }) : () -> ()
    }
    %scan3A_4 = arith.constant 5 : i32
    %barrier3A = arith.constant 0 : index
    tpu.barrier barrier_id(%barrier3A)
    %mul3A = arith.constant 20096 : i32
    %mul3A_5 = arith.muli %arg1, %mul3A : i32
    %mul3A_6 = arith.constant 321536 : i32
    %mul3A_7 = arith.muli %arg0, %mul3A_6 : i32
    %add3A = arith.addi %mul3A_7, %mul3A_5 : i32
    %add3A_8 = arith.constant 0 : i32
    %add3A_9 = arith.addi %add3A, %add3A_8 : i32
    "tpu.region"() ({
      %run_scoped3A = tpu.sem_alloc : memref<!tpu.dma_semaphore, #tpu.memory_space<semaphore_mem>>
      %dma_start3A_34 = tpu.memref_slice %arg3[%add3A_9] : memref<643200xi32, #tpu.memory_space<hbm>> -> memref<128xi32, #tpu.memory_space<hbm>>
      %dma_start3A_35 = tpu.memref_slice %arg3[%add3A_9] : memref<643200xi32, #tpu.memory_space<hbm>> -> memref<128xi32, #tpu.memory_space<hbm>>
      tpu.enqueue_dma source(%dma_start3A_35 : memref<128xi32, #tpu.memory_space<hbm>>) target(%arg7 : memref<128xi32, #tpu.memory_space<vmem>>) target_semaphore(%run_scoped3A : memref<!tpu.dma_semaphore, #tpu.memory_space<semaphore_mem>>)
      %dma_wait3A_36 = tpu.memref_slice %arg3[%add3A_9] : memref<643200xi32, #tpu.memory_space<hbm>> -> memref<128xi32, #tpu.memory_space<hbm>>
      %dma_wait3A_37 = tpu.memref_slice %arg3[%add3A_9] : memref<643200xi32, #tpu.memory_space<hbm>> -> memref<128xi32, #tpu.memory_space<hbm>>
      tpu.wait_dma2 semaphore(%run_scoped3A : memref<!tpu.dma_semaphore, #tpu.memory_space<semaphore_mem>>) src(%dma_wait3A_37 : memref<128xi32, #tpu.memory_space<hbm>>) dst(%arg7 : memref<128xi32, #tpu.memory_space<vmem>>)
      tpu.yield
    }) : () -> ()
    %dma_start3A = arith.constant 0 : i32
    %dma_start3A_10 = arith.constant 0 : i32
    %dma_start3A_11 = tpu.memref_slice %arg2[%dma_start3A, %dma_start3A_10] : memref<20480x128xf32, #tpu.memory_space<hbm>> -> memref<20480x128xf32, #tpu.memory_space<hbm>>
    tpu.enqueue_indirect_dma source(%dma_start3A_11 : memref<20480x128xf32, #tpu.memory_space<hbm>>) target(%arg11 : memref<128x128xf32, #tpu.memory_space<vmem>>) offsets(%arg7 : memref<128xi32, #tpu.memory_space<vmem>>) semaphore(%arg13 : memref<!tpu.dma_semaphore, #tpu.memory_space<semaphore_mem>>)
    %mul3A_12 = arith.constant 321536 : i32
    %mul3A_13 = arith.muli %arg0, %mul3A_12 : i32
    %add3A_14 = arith.addi %mul3A_13, %mul3A_5 : i32
    %add3A_15 = arith.constant 128 : i32
    %add3A_16 = arith.addi %add3A_14, %add3A_15 : i32
    "tpu.region"() ({
      %run_scoped3A = tpu.sem_alloc : memref<!tpu.dma_semaphore, #tpu.memory_space<semaphore_mem>>
      %dma_start3A_34 = tpu.memref_slice %arg3[%add3A_16] : memref<643200xi32, #tpu.memory_space<hbm>> -> memref<128xi32, #tpu.memory_space<hbm>>
      %dma_start3A_35 = tpu.memref_slice %arg3[%add3A_16] : memref<643200xi32, #tpu.memory_space<hbm>> -> memref<128xi32, #tpu.memory_space<hbm>>
      tpu.enqueue_dma source(%dma_start3A_35 : memref<128xi32, #tpu.memory_space<hbm>>) target(%arg8 : memref<128xi32, #tpu.memory_space<vmem>>) target_semaphore(%run_scoped3A : memref<!tpu.dma_semaphore, #tpu.memory_space<semaphore_mem>>)
      %dma_wait3A_36 = tpu.memref_slice %arg3[%add3A_16] : memref<643200xi32, #tpu.memory_space<hbm>> -> memref<128xi32, #tpu.memory_space<hbm>>
      %dma_wait3A_37 = tpu.memref_slice %arg3[%add3A_16] : memref<643200xi32, #tpu.memory_space<hbm>> -> memref<128xi32, #tpu.memory_space<hbm>>
      tpu.wait_dma2 semaphore(%run_scoped3A : memref<!tpu.dma_semaphore, #tpu.memory_space<semaphore_mem>>) src(%dma_wait3A_37 : memref<128xi32, #tpu.memory_space<hbm>>) dst(%arg8 : memref<128xi32, #tpu.memory_space<vmem>>)
      tpu.yield
    }) : () -> ()
    %scan3A_17 = arith.constant 0 : i32
    %scan3A_18 = arith.constant 0 : i32
    %scan3A_19 = arith.constant 78 : i32
    %scan3A_20 = arith.addi %scan3A_18, %scan3A_19 : i32
    %scan3A_21 = arith.constant 1 : i32
    scf.for %scan3A_34 = %scan3A_18 to %scan3A_20 step %scan3A_21  : i32 {
      %mul3A_35 = arith.constant 2 : i32
      %mul3A_36 = arith.muli %mul3A_35, %scan3A_34 : i32
      %mul3A_37 = arith.constant 128 : i32
      %mul3A_38 = arith.muli %mul3A_36, %mul3A_37 : i32
      %add3A_39 = arith.addi %mul3A_5, %mul3A_38 : i32
      "tpu.region"() ({
        %run_scoped3A = tpu.sem_alloc : memref<!tpu.dma_semaphore, #tpu.memory_space<semaphore_mem>>
        %dma_start3A_81 = tpu.memref_slice %arg4[%add3A_39] : memref<321536xi32, #tpu.memory_space<hbm>> -> memref<128xi32, #tpu.memory_space<hbm>>
        %dma_start3A_82 = tpu.memref_slice %arg4[%add3A_39] : memref<321536xi32, #tpu.memory_space<hbm>> -> memref<128xi32, #tpu.memory_space<hbm>>
        tpu.enqueue_dma source(%dma_start3A_82 : memref<128xi32, #tpu.memory_space<hbm>>) target(%arg9 : memref<128xi32, #tpu.memory_space<vmem>>) target_semaphore(%run_scoped3A : memref<!tpu.dma_semaphore, #tpu.memory_space<semaphore_mem>>)
        %dma_wait3A_83 = tpu.memref_slice %arg4[%add3A_39] : memref<321536xi32, #tpu.memory_space<hbm>> -> memref<128xi32, #tpu.memory_space<hbm>>
        %dma_wait3A_84 = tpu.memref_slice %arg4[%add3A_39] : memref<321536xi32, #tpu.memory_space<hbm>> -> memref<128xi32, #tpu.memory_space<hbm>>
        tpu.wait_dma2 semaphore(%run_scoped3A : memref<!tpu.dma_semaphore, #tpu.memory_space<semaphore_mem>>) src(%dma_wait3A_84 : memref<128xi32, #tpu.memory_space<hbm>>) dst(%arg9 : memref<128xi32, #tpu.memory_space<vmem>>)
        tpu.yield
      }) : () -> ()
      %dma_wait3A_40 = arith.constant 0 : i32
      %dma_wait3A_41 = arith.constant 0 : i32
      %dma_wait3A_42 = tpu.memref_slice %arg2[%dma_wait3A_40, %dma_wait3A_41] : memref<20480x128xf32, #tpu.memory_space<hbm>> -> memref<20480x128xf32, #tpu.memory_space<hbm>>
      tpu.wait_indirect_dma semaphore(%arg13 : memref<!tpu.dma_semaphore, #tpu.memory_space<semaphore_mem>>) src(%dma_wait3A_42 : memref<20480x128xf32, #tpu.memory_space<hbm>>) dst(%arg11 : memref<128x128xf32, #tpu.memory_space<vmem>>)
      %dma_start3A_43 = arith.constant 0 : i32
      %dma_start3A_44 = arith.constant 0 : i32
      %dma_start3A_45 = tpu.memref_slice %arg2[%dma_start3A_43, %dma_start3A_44] : memref<20480x128xf32, #tpu.memory_space<hbm>> -> memref<20480x128xf32, #tpu.memory_space<hbm>>
      tpu.enqueue_indirect_dma source(%dma_start3A_45 : memref<20480x128xf32, #tpu.memory_space<hbm>>) target(%arg12 : memref<128x128xf32, #tpu.memory_space<vmem>>) offsets(%arg8 : memref<128xi32, #tpu.memory_space<vmem>>) semaphore(%arg14 : memref<!tpu.dma_semaphore, #tpu.memory_space<semaphore_mem>>)
      %add3A_46 = arith.constant 2 : i32
      %add3A_47 = arith.addi %mul3A_36, %add3A_46 : i32
      %mul3A_48 = arith.constant 321536 : i32
      %mul3A_49 = arith.muli %arg0, %mul3A_48 : i32
      %add3A_50 = arith.addi %mul3A_49, %mul3A_5 : i32
      %mul3A_51 = arith.constant 128 : i32
      %mul3A_52 = arith.muli %add3A_47, %mul3A_51 : i32
      %add3A_53 = arith.addi %add3A_50, %mul3A_52 : i32
      %dma_start3A_54 = tpu.memref_slice %arg3[%add3A_53] : memref<643200xi32, #tpu.memory_space<hbm>> -> memref<128xi32, #tpu.memory_space<hbm>>
      %dma_start3A_55 = tpu.memref_slice %arg3[%add3A_53] : memref<643200xi32, #tpu.memory_space<hbm>> -> memref<128xi32, #tpu.memory_space<hbm>>
      tpu.enqueue_dma source(%dma_start3A_55 : memref<128xi32, #tpu.memory_space<hbm>>) target(%arg7 : memref<128xi32, #tpu.memory_space<vmem>>) target_semaphore(%arg15 : memref<!tpu.dma_semaphore, #tpu.memory_space<semaphore_mem>>)
      "tpu.region"() ({
        %run_scoped3A = tpu.sem_alloc : memref<!tpu.dma_semaphore, #tpu.memory_space<semaphore_mem>>
        %dma_start3A_81 = arith.constant 0 : i32
        %dma_start3A_82 = arith.constant 0 : i32
        %dma_start3A_83 = tpu.memref_slice %arg6[%dma_start3A_81, %dma_start3A_82] : memref<10240x128xf32, #tpu.memory_space<vmem_shared>> -> memref<10240x128xf32, #tpu.memory_space<vmem_shared>>
        tpu.enqueue_indirect_dma source(%arg11 : memref<128x128xf32, #tpu.memory_space<vmem>>) target(%dma_start3A_83 : memref<10240x128xf32, #tpu.memory_space<vmem_shared>>) offsets(%arg9 : memref<128xi32, #tpu.memory_space<vmem>>) semaphore(%run_scoped3A : memref<!tpu.dma_semaphore, #tpu.memory_space<semaphore_mem>>) {add = true}
        %dma_wait3A_84 = arith.constant 0 : i32
        %dma_wait3A_85 = arith.constant 0 : i32
        %dma_wait3A_86 = tpu.memref_slice %arg6[%dma_wait3A_84, %dma_wait3A_85] : memref<10240x128xf32, #tpu.memory_space<vmem_shared>> -> memref<10240x128xf32, #tpu.memory_space<vmem_shared>>
        tpu.wait_indirect_dma semaphore(%run_scoped3A : memref<!tpu.dma_semaphore, #tpu.memory_space<semaphore_mem>>) src(%arg11 : memref<128x128xf32, #tpu.memory_space<vmem>>) dst(%dma_wait3A_86 : memref<10240x128xf32, #tpu.memory_space<vmem_shared>>)
        tpu.yield
      }) : () -> ()
      %add3A_56 = arith.constant 1 : i32
      %add3A_57 = arith.addi %mul3A_36, %add3A_56 : i32
      %mul3A_58 = arith.constant 128 : i32
      %mul3A_59 = arith.muli %add3A_57, %mul3A_58 : i32
      %add3A_60 = arith.addi %mul3A_5, %mul3A_59 : i32
      "tpu.region"() ({
        %run_scoped3A = tpu.sem_alloc : memref<!tpu.dma_semaphore, #tpu.memory_space<semaphore_mem>>
        %dma_start3A_81 = tpu.memref_slice %arg4[%add3A_60] : memref<321536xi32, #tpu.memory_space<hbm>> -> memref<128xi32, #tpu.memory_space<hbm>>
        %dma_start3A_82 = tpu.memref_slice %arg4[%add3A_60] : memref<321536xi32, #tpu.memory_space<hbm>> -> memref<128xi32, #tpu.memory_space<hbm>>
        tpu.enqueue_dma source(%dma_start3A_82 : memref<128xi32, #tpu.memory_space<hbm>>) target(%arg10 : memref<128xi32, #tpu.memory_space<vmem>>) target_semaphore(%run_scoped3A : memref<!tpu.dma_semaphore, #tpu.memory_space<semaphore_mem>>)
        %dma_wait3A_83 = tpu.memref_slice %arg4[%add3A_60] : memref<321536xi32, #tpu.memory_space<hbm>> -> memref<128xi32, #tpu.memory_space<hbm>>
        %dma_wait3A_84 = tpu.memref_slice %arg4[%add3A_60] : memref<321536xi32, #tpu.memory_space<hbm>> -> memref<128xi32, #tpu.memory_space<hbm>>
        tpu.wait_dma2 semaphore(%run_scoped3A : memref<!tpu.dma_semaphore, #tpu.memory_space<semaphore_mem>>) src(%dma_wait3A_84 : memref<128xi32, #tpu.memory_space<hbm>>) dst(%arg10 : memref<128xi32, #tpu.memory_space<vmem>>)
        tpu.yield
      }) : () -> ()
      %dma_wait3A_61 = arith.constant 0 : i32
      %dma_wait3A_62 = arith.constant 0 : i32
      %dma_wait3A_63 = tpu.memref_slice %arg2[%dma_wait3A_61, %dma_wait3A_62] : memref<20480x128xf32, #tpu.memory_space<hbm>> -> memref<20480x128xf32, #tpu.memory_space<hbm>>
      tpu.wait_indirect_dma semaphore(%arg14 : memref<!tpu.dma_semaphore, #tpu.memory_space<semaphore_mem>>) src(%dma_wait3A_63 : memref<20480x128xf32, #tpu.memory_space<hbm>>) dst(%arg12 : memref<128x128xf32, #tpu.memory_space<vmem>>)
      %dma_wait3A_64 = tpu.memref_slice %arg3[%add3A_53] : memref<643200xi32, #tpu.memory_space<hbm>> -> memref<128xi32, #tpu.memory_space<hbm>>
      %dma_wait3A_65 = tpu.memref_slice %arg3[%add3A_53] : memref<643200xi32, #tpu.memory_space<hbm>> -> memref<128xi32, #tpu.memory_space<hbm>>
      tpu.wait_dma2 semaphore(%arg15 : memref<!tpu.dma_semaphore, #tpu.memory_space<semaphore_mem>>) src(%dma_wait3A_65 : memref<128xi32, #tpu.memory_space<hbm>>) dst(%arg7 : memref<128xi32, #tpu.memory_space<vmem>>)
      %dma_start3A_66 = arith.constant 0 : i32
      %dma_start3A_67 = arith.constant 0 : i32
      %dma_start3A_68 = tpu.memref_slice %arg2[%dma_start3A_66, %dma_start3A_67] : memref<20480x128xf32, #tpu.memory_space<hbm>> -> memref<20480x128xf32, #tpu.memory_space<hbm>>
      tpu.enqueue_indirect_dma source(%dma_start3A_68 : memref<20480x128xf32, #tpu.memory_space<hbm>>) target(%arg11 : memref<128x128xf32, #tpu.memory_space<vmem>>) offsets(%arg7 : memref<128xi32, #tpu.memory_space<vmem>>) semaphore(%arg13 : memref<!tpu.dma_semaphore, #tpu.memory_space<semaphore_mem>>)
      %add3A_69 = arith.constant 3 : i32
      %add3A_70 = arith.addi %mul3A_36, %add3A_69 : i32
      %mul3A_71 = arith.constant 321536 : i32
      %mul3A_72 = arith.muli %arg0, %mul3A_71 : i32
      %add3A_73 = arith.addi %mul3A_72, %mul3A_5 : i32
      %mul3A_74 = arith.constant 128 : i32
      %mul3A_75 = arith.muli %add3A_70, %mul3A_74 : i32
      %add3A_76 = arith.addi %add3A_73, %mul3A_75 : i32
      %dma_start3A_77 = tpu.memref_slice %arg3[%add3A_76] : memref<643200xi32, #tpu.memory_space<hbm>> -> memref<128xi32, #tpu.memory_space<hbm>>
      %dma_start3A_78 = tpu.memref_slice %arg3[%add3A_76] : memref<643200xi32, #tpu.memory_space<hbm>> -> memref<128xi32, #tpu.memory_space<hbm>>
      tpu.enqueue_dma source(%dma_start3A_78 : memref<128xi32, #tpu.memory_space<hbm>>) target(%arg8 : memref<128xi32, #tpu.memory_space<vmem>>) target_semaphore(%arg16 : memref<!tpu.dma_semaphore, #tpu.memory_space<semaphore_mem>>)
      "tpu.region"() ({
        %run_scoped3A = tpu.sem_alloc : memref<!tpu.dma_semaphore, #tpu.memory_space<semaphore_mem>>
        %dma_start3A_81 = arith.constant 0 : i32
        %dma_start3A_82 = arith.constant 0 : i32
        %dma_start3A_83 = tpu.memref_slice %arg6[%dma_start3A_81, %dma_start3A_82] : memref<10240x128xf32, #tpu.memory_space<vmem_shared>> -> memref<10240x128xf32, #tpu.memory_space<vmem_shared>>
        tpu.enqueue_indirect_dma source(%arg12 : memref<128x128xf32, #tpu.memory_space<vmem>>) target(%dma_start3A_83 : memref<10240x128xf32, #tpu.memory_space<vmem_shared>>) offsets(%arg10 : memref<128xi32, #tpu.memory_space<vmem>>) semaphore(%run_scoped3A : memref<!tpu.dma_semaphore, #tpu.memory_space<semaphore_mem>>) {add = true}
        %dma_wait3A_84 = arith.constant 0 : i32
        %dma_wait3A_85 = arith.constant 0 : i32
        %dma_wait3A_86 = tpu.memref_slice %arg6[%dma_wait3A_84, %dma_wait3A_85] : memref<10240x128xf32, #tpu.memory_space<vmem_shared>> -> memref<10240x128xf32, #tpu.memory_space<vmem_shared>>
        tpu.wait_indirect_dma semaphore(%run_scoped3A : memref<!tpu.dma_semaphore, #tpu.memory_space<semaphore_mem>>) src(%arg12 : memref<128x128xf32, #tpu.memory_space<vmem>>) dst(%dma_wait3A_86 : memref<10240x128xf32, #tpu.memory_space<vmem_shared>>)
        tpu.yield
      }) : () -> ()
      %dma_wait3A_79 = tpu.memref_slice %arg3[%add3A_76] : memref<643200xi32, #tpu.memory_space<hbm>> -> memref<128xi32, #tpu.memory_space<hbm>>
      %dma_wait3A_80 = tpu.memref_slice %arg3[%add3A_76] : memref<643200xi32, #tpu.memory_space<hbm>> -> memref<128xi32, #tpu.memory_space<hbm>>
      tpu.wait_dma2 semaphore(%arg16 : memref<!tpu.dma_semaphore, #tpu.memory_space<semaphore_mem>>) src(%dma_wait3A_80 : memref<128xi32, #tpu.memory_space<hbm>>) dst(%arg8 : memref<128xi32, #tpu.memory_space<vmem>>)
    }
    %scan3A_22 = arith.constant 78 : i32
    %add3A_23 = arith.constant 19968 : i32
    %add3A_24 = arith.addi %mul3A_5, %add3A_23 : i32
    "tpu.region"() ({
      %run_scoped3A = tpu.sem_alloc : memref<!tpu.dma_semaphore, #tpu.memory_space<semaphore_mem>>
      %dma_start3A_34 = tpu.memref_slice %arg4[%add3A_24] : memref<321536xi32, #tpu.memory_space<hbm>> -> memref<128xi32, #tpu.memory_space<hbm>>
      %dma_start3A_35 = tpu.memref_slice %arg4[%add3A_24] : memref<321536xi32, #tpu.memory_space<hbm>> -> memref<128xi32, #tpu.memory_space<hbm>>
      tpu.enqueue_dma source(%dma_start3A_35 : memref<128xi32, #tpu.memory_space<hbm>>) target(%arg9 : memref<128xi32, #tpu.memory_space<vmem>>) target_semaphore(%run_scoped3A : memref<!tpu.dma_semaphore, #tpu.memory_space<semaphore_mem>>)
      %dma_wait3A_36 = tpu.memref_slice %arg4[%add3A_24] : memref<321536xi32, #tpu.memory_space<hbm>> -> memref<128xi32, #tpu.memory_space<hbm>>
      %dma_wait3A_37 = tpu.memref_slice %arg4[%add3A_24] : memref<321536xi32, #tpu.memory_space<hbm>> -> memref<128xi32, #tpu.memory_space<hbm>>
      tpu.wait_dma2 semaphore(%run_scoped3A : memref<!tpu.dma_semaphore, #tpu.memory_space<semaphore_mem>>) src(%dma_wait3A_37 : memref<128xi32, #tpu.memory_space<hbm>>) dst(%arg9 : memref<128xi32, #tpu.memory_space<vmem>>)
      tpu.yield
    }) : () -> ()
    %dma_wait3A = arith.constant 0 : i32
    %dma_wait3A_25 = arith.constant 0 : i32
    %dma_wait3A_26 = tpu.memref_slice %arg2[%dma_wait3A, %dma_wait3A_25] : memref<20480x128xf32, #tpu.memory_space<hbm>> -> memref<20480x128xf32, #tpu.memory_space<hbm>>
    tpu.wait_indirect_dma semaphore(%arg13 : memref<!tpu.dma_semaphore, #tpu.memory_space<semaphore_mem>>) src(%dma_wait3A_26 : memref<20480x128xf32, #tpu.memory_space<hbm>>) dst(%arg11 : memref<128x128xf32, #tpu.memory_space<vmem>>)
    "tpu.region"() ({
      %run_scoped3A = tpu.sem_alloc : memref<!tpu.dma_semaphore, #tpu.memory_space<semaphore_mem>>
      %dma_start3A_34 = arith.constant 0 : i32
      %dma_start3A_35 = arith.constant 0 : i32
      %dma_start3A_36 = tpu.memref_slice %arg6[%dma_start3A_34, %dma_start3A_35] : memref<10240x128xf32, #tpu.memory_space<vmem_shared>> -> memref<10240x128xf32, #tpu.memory_space<vmem_shared>>
      tpu.enqueue_indirect_dma source(%arg11 : memref<128x128xf32, #tpu.memory_space<vmem>>) target(%dma_start3A_36 : memref<10240x128xf32, #tpu.memory_space<vmem_shared>>) offsets(%arg9 : memref<128xi32, #tpu.memory_space<vmem>>) semaphore(%run_scoped3A : memref<!tpu.dma_semaphore, #tpu.memory_space<semaphore_mem>>) {add = true}
      %dma_wait3A_37 = arith.constant 0 : i32
      %dma_wait3A_38 = arith.constant 0 : i32
      %dma_wait3A_39 = tpu.memref_slice %arg6[%dma_wait3A_37, %dma_wait3A_38] : memref<10240x128xf32, #tpu.memory_space<vmem_shared>> -> memref<10240x128xf32, #tpu.memory_space<vmem_shared>>
      tpu.wait_indirect_dma semaphore(%run_scoped3A : memref<!tpu.dma_semaphore, #tpu.memory_space<semaphore_mem>>) src(%arg11 : memref<128x128xf32, #tpu.memory_space<vmem>>) dst(%dma_wait3A_39 : memref<10240x128xf32, #tpu.memory_space<vmem_shared>>)
      tpu.yield
    }) : () -> ()
    %barrier3A_27 = arith.constant 0 : index
    tpu.barrier barrier_id(%barrier3A_27)
    %scan3A_28 = arith.constant 0 : i32
    %scan3A_29 = arith.constant 0 : i32
    %scan3A_30 = arith.constant 5 : i32
    %scan3A_31 = arith.addi %scan3A_29, %scan3A_30 : i32
    %scan3A_32 = arith.constant 1 : i32
    scf.for %scan3A_34 = %scan3A_29 to %scan3A_31 step %scan3A_32  : i32 {
      %mul3A_35 = arith.constant 640 : i32
      %mul3A_36 = arith.muli %arg1, %mul3A_35 : i32
      %mul3A_37 = arith.constant 128 : i32
      %mul3A_38 = arith.muli %scan3A_34, %mul3A_37 : i32
      %add3A_39 = arith.addi %mul3A_36, %mul3A_38 : i32
      "tpu.region"() ({
        %run_scoped3A = tpu.sem_alloc : memref<!tpu.dma_semaphore, #tpu.memory_space<semaphore_mem>>
        %dma_start3A_48 = arith.constant 0 : i32
        %dma_start3A_49 = tpu.memref_slice %arg6[%add3A_39, %dma_start3A_48] : memref<10240x128xf32, #tpu.memory_space<vmem_shared>> -> memref<128x128xf32, #tpu.memory_space<vmem_shared>>
        %dma_start3A_50 = arith.constant 0 : i32
        %dma_start3A_51 = tpu.memref_slice %arg6[%add3A_39, %dma_start3A_50] : memref<10240x128xf32, #tpu.memory_space<vmem_shared>> -> memref<128x128xf32, #tpu.memory_space<vmem_shared>>
        tpu.enqueue_dma source(%dma_start3A_51 : memref<128x128xf32, #tpu.memory_space<vmem_shared>>) target(%arg11 : memref<128x128xf32, #tpu.memory_space<vmem>>) target_semaphore(%run_scoped3A : memref<!tpu.dma_semaphore, #tpu.memory_space<semaphore_mem>>)
        %dma_wait3A_52 = arith.constant 0 : i32
        %dma_wait3A_53 = tpu.memref_slice %arg6[%add3A_39, %dma_wait3A_52] : memref<10240x128xf32, #tpu.memory_space<vmem_shared>> -> memref<128x128xf32, #tpu.memory_space<vmem_shared>>
        %dma_wait3A_54 = arith.constant 0 : i32
        %dma_wait3A_55 = tpu.memref_slice %arg6[%add3A_39, %dma_wait3A_54] : memref<10240x128xf32, #tpu.memory_space<vmem_shared>> -> memref<128x128xf32, #tpu.memory_space<vmem_shared>>
        tpu.wait_dma2 semaphore(%run_scoped3A : memref<!tpu.dma_semaphore, #tpu.memory_space<semaphore_mem>>) src(%dma_wait3A_55 : memref<128x128xf32, #tpu.memory_space<vmem_shared>>) dst(%arg11 : memref<128x128xf32, #tpu.memory_space<vmem>>)
        tpu.yield
      }) : () -> ()
      %mul3A_40 = arith.constant 10240 : i32
      %mul3A_41 = arith.muli %arg0, %mul3A_40 : i32
      %mul3A_42 = arith.constant 640 : i32
      %mul3A_43 = arith.muli %arg1, %mul3A_42 : i32
      %add3A_44 = arith.addi %mul3A_41, %mul3A_43 : i32
      %mul3A_45 = arith.constant 128 : i32
      %mul3A_46 = arith.muli %scan3A_34, %mul3A_45 : i32
      %add3A_47 = arith.addi %add3A_44, %mul3A_46 : i32
      "tpu.region"() ({
        %run_scoped3A = tpu.sem_alloc : memref<!tpu.dma_semaphore, #tpu.memory_space<semaphore_mem>>
        %dma_start3A_48 = arith.constant 0 : i32
        %dma_start3A_49 = tpu.memref_slice %arg5[%add3A_47, %dma_start3A_48] : memref<20480x128xf32, #tpu.memory_space<hbm>> -> memref<128x128xf32, #tpu.memory_space<hbm>>
        %dma_start3A_50 = arith.constant 0 : i32
        %dma_start3A_51 = tpu.memref_slice %arg5[%add3A_47, %dma_start3A_50] : memref<20480x128xf32, #tpu.memory_space<hbm>> -> memref<128x128xf32, #tpu.memory_space<hbm>>
        tpu.enqueue_dma source(%arg11 : memref<128x128xf32, #tpu.memory_space<vmem>>) target(%dma_start3A_51 : memref<128x128xf32, #tpu.memory_space<hbm>>) target_semaphore(%run_scoped3A : memref<!tpu.dma_semaphore, #tpu.memory_space<semaphore_mem>>)
        %dma_wait3A_52 = arith.constant 0 : i32
        %dma_wait3A_53 = tpu.memref_slice %arg5[%add3A_47, %dma_wait3A_52] : memref<20480x128xf32, #tpu.memory_space<hbm>> -> memref<128x128xf32, #tpu.memory_space<hbm>>
        %dma_wait3A_54 = arith.constant 0 : i32
        %dma_wait3A_55 = tpu.memref_slice %arg5[%add3A_47, %dma_wait3A_54] : memref<20480x128xf32, #tpu.memory_space<hbm>> -> memref<128x128xf32, #tpu.memory_space<hbm>>
        tpu.wait_dma2 semaphore(%run_scoped3A : memref<!tpu.dma_semaphore, #tpu.memory_space<semaphore_mem>>) src(%arg11 : memref<128x128xf32, #tpu.memory_space<vmem>>) dst(%dma_wait3A_55 : memref<128x128xf32, #tpu.memory_space<hbm>>)
        tpu.yield
      }) : () -> ()
    }
    %scan3A_33 = arith.constant 5 : i32
    return
  }
}

module attributes {stable_mosaic.version = 14 : i64} {
  func.func @_mm1_body(%arg0: i32, %arg1: i32, %arg2: memref<256x128xf32, #tpu.memory_space<vmem>>, %arg3: memref<128x128xf32, #tpu.memory_space<vmem>>, %arg4: memref<32x256xf32, #tpu.memory_space<vmem>>, %arg5: memref<256x128xf32, #tpu.memory_space<vmem>>, %arg6: memref<256xf32, #tpu.memory_space<vmem>>) attributes {dimension_semantics = [#tpu.dimension_semantics<arbitrary>, #tpu.dimension_semantics<arbitrary>], iteration_bounds = array<i64: 2, 40>, scalar_prefetch = 0 : i64, scratch_operands = 0 : i64, tpu.core_type = #tpu.core_type<tc>, window_params = [{transform_indices = @transform_0, window_bounds = array<i64: 256, 128>}, {transform_indices = @transform_1, window_bounds = array<i64: 128, 128>}, {transform_indices = @transform_2, window_bounds = array<i64: 32, 256>}, {transform_indices = @transform_3, window_bounds = array<i64: 256, 128>}, {transform_indices = @transform_4, window_bounds = array<i64: 256>}]} {
    %get3A = arith.constant 0 : index
    %get3A_0 = arith.constant 0 : index
    %get3A_1 = vector.load %arg4[%get3A, %get3A_0] : memref<32x256xf32, #tpu.memory_space<vmem>>, vector<32x256xf32>
    %reduce_sum3A = arith.constant dense<0.000000e+00> : vector<256xf32>
    %reduce_sum3A_2 = vector.multi_reduction <add>, %get3A_1, %reduce_sum3A [0] : vector<32x256xf32> to vector<256xf32>
    %add3A = arith.constant 1.000000e+00 : f32
    %add3A_3 = vector.broadcast %add3A : f32 to vector<256xf32>
    %add3A_4 = arith.addf %reduce_sum3A_2, %add3A_3 : vector<256xf32>
    %max3A = arith.constant 1.000000e+00 : f32
    %max3A_5 = vector.broadcast %max3A : f32 to vector<256xf32>
    %max3A_6 = arith.maximumf %add3A_4, %max3A_5 : vector<256xf32>
    %rsqrt3A = math.rsqrt %max3A_6 : vector<256xf32>
    %swap3A = arith.constant 0 : index
    %swap3A_7 = vector.load %arg6[%swap3A] : memref<256xf32, #tpu.memory_space<vmem>>, vector<256xf32>
    tpu.vector_store %arg6[%swap3A], %rsqrt3A {strides = array<i32>} : memref<256xf32, #tpu.memory_space<vmem>>, vector<256xf32>,
    %get3A_8 = arith.constant 0 : index
    %get3A_9 = arith.constant 0 : index
    %get3A_10 = vector.load %arg2[%get3A_8, %get3A_9] : memref<256x128xf32, #tpu.memory_space<vmem>>, vector<256x128xf32>
    %get3A_11 = arith.constant 0 : index
    %get3A_12 = arith.constant 0 : index
    %get3A_13 = vector.load %arg3[%get3A_11, %get3A_12] : memref<128x128xf32, #tpu.memory_space<vmem>>, vector<128x128xf32>
    %dot_general3A = arith.constant dense<0.000000e+00> : vector<256x128xf32>
    %dot_general3A_14 = tpu.matmul %get3A_10, %get3A_13, %dot_general3A {dimension_numbers = #tpu.dot_dimension_numbers<[1], [0], [0], [1], [0, 0, 1, 1], [], []>, transpose_lhs_hint = false} : vector<256x128xf32>, vector<128x128xf32>, vector<256x128xf32> -> vector<256x128xf32>
    %broadcast_in_dim3A = vector.shape_cast %rsqrt3A : vector<256xf32> to vector<256x1xf32>
    %mul3A = vector.broadcast %broadcast_in_dim3A : vector<256x1xf32> to vector<256x128xf32>
    %mul3A_15 = arith.mulf %dot_general3A_14, %mul3A : vector<256x128xf32>
    %swap3A_16 = arith.constant 0 : index
    %swap3A_17 = arith.constant 0 : index
    %swap3A_18 = vector.load %arg5[%swap3A_16, %swap3A_17] : memref<256x128xf32, #tpu.memory_space<vmem>>, vector<256x128xf32>
    tpu.vector_store %arg5[%swap3A_16, %swap3A_17], %mul3A_15 {strides = array<i32>} : memref<256x128xf32, #tpu.memory_space<vmem>>, vector<256x128xf32>,
    return
  }
  func.func @transform_0(%arg0: i32, %arg1: i32) -> (i32, i32) {
    %c0_i32 = arith.constant 0 : i32
    %c0_i32_0 = arith.constant 0 : i32
    return %arg1, %c0_i32 : i32, i32
  }
  func.func @transform_1(%arg0: i32, %arg1: i32) -> (i32, i32) {
    %c0_i32 = arith.constant 0 : i32
    %c0_i32_0 = arith.constant 0 : i32
    return %c0_i32, %arg0 : i32, i32
  }
  func.func @transform_2(%arg0: i32, %arg1: i32) -> (i32, i32) {
    %c0_i32 = arith.constant 0 : i32
    %c0_i32_0 = arith.constant 0 : i32
    return %c0_i32, %arg1 : i32, i32
  }
  func.func @transform_3(%arg0: i32, %arg1: i32) -> (i32, i32) {
    %mul3A = arith.constant 40 : i32
    %mul3A_0 = arith.muli %arg0, %mul3A : i32
    %add3A = arith.addi %mul3A_0, %arg1 : i32
    %c0_i32 = arith.constant 0 : i32
    %c0_i32_1 = arith.constant 0 : i32
    return %add3A, %c0_i32 : i32, i32
  }
  func.func @transform_4(%arg0: i32, %arg1: i32) -> i32 {
    %c0_i32 = arith.constant 0 : i32
    return %arg1 : i32
  }
}

module attributes {stable_mosaic.version = 14 : i64} {
  func.func @_mm2_body(%arg0: i32, %arg1: i32, %arg2: memref<256x128xf32, #tpu.memory_space<vmem>>, %arg3: memref<256x128xf32, #tpu.memory_space<vmem>>, %arg4: memref<256xf32, #tpu.memory_space<vmem>>, %arg5: memref<256xf32, #tpu.memory_space<vmem>>, %arg6: memref<256x128xf32, #tpu.memory_space<vmem>>, %arg7: memref<256x128xf32, #tpu.memory_space<vmem>>) attributes {dimension_semantics = [#tpu.dimension_semantics<arbitrary>, #tpu.dimension_semantics<arbitrary>], iteration_bounds = array<i64: 2, 40>, scalar_prefetch = 0 : i64, scratch_operands = 0 : i64, tpu.core_type = #tpu.core_type<tc>, window_params = [{transform_indices = @transform_0, window_bounds = array<i64: 256, 128>}, {transform_indices = @transform_1, window_bounds = array<i64: 256, 128>}, {transform_indices = @transform_2, window_bounds = array<i64: 256>}, {pipeline_mode = #tpu.pipeline_mode<synchronous>, transform_indices = @transform_3, window_bounds = array<i64: 256>}, {transform_indices = @transform_4, window_bounds = array<i64: 256, 128>}, {transform_indices = @transform_5, window_bounds = array<i64: 256, 128>}]} {
    %get3A = arith.constant 0 : index
    %get3A_0 = vector.load %arg4[%get3A] : memref<256xf32, #tpu.memory_space<vmem>>, vector<256xf32>
    %get3A_1 = arith.constant 0 : index
    %get3A_2 = arith.constant 0 : index
    %get3A_3 = vector.load %arg2[%get3A_1, %get3A_2] : memref<256x128xf32, #tpu.memory_space<vmem>>, vector<256x128xf32>
    %get3A_4 = arith.constant 0 : index
    %get3A_5 = arith.constant 0 : index
    %get3A_6 = vector.load %arg3[%get3A_4, %get3A_5] : memref<256x128xf32, #tpu.memory_space<vmem>>, vector<256x128xf32>
    %concatenate3A = tpu.concatenate %get3A_3, %get3A_6 in 1 : vector<256x128xf32>, vector<256x128xf32> -> vector<256x256xf32>
    %broadcast_in_dim3A = vector.shape_cast %get3A_0 : vector<256xf32> to vector<256x1xf32>
    %mul3A = vector.broadcast %broadcast_in_dim3A : vector<256x1xf32> to vector<256x256xf32>
    %mul3A_7 = arith.mulf %concatenate3A, %mul3A : vector<256x256xf32>
    %get3A_8 = arith.constant 0 : index
    %get3A_9 = vector.load %arg5[%get3A_8] : memref<256xf32, #tpu.memory_space<vmem>>, vector<256xf32>
    %broadcast_in_dim3A_10 = vector.shape_cast %get3A_9 : vector<256xf32> to vector<1x256xf32>
    %add3A = vector.broadcast %broadcast_in_dim3A_10 : vector<1x256xf32> to vector<256x256xf32>
    %add3A_11 = arith.addf %mul3A_7, %add3A : vector<256x256xf32>
    %max3A = arith.constant 0.000000e+00 : f32
    %max3A_12 = vector.broadcast %max3A : f32 to vector<256x256xf32>
    %max3A_13 = arith.maximumf %add3A_11, %max3A_12 : vector<256x256xf32>
    %get3A_14 = arith.constant 0 : index
    %get3A_15 = arith.constant 0 : index
    %get3A_16 = vector.load %arg6[%get3A_14, %get3A_15] : memref<256x128xf32, #tpu.memory_space<vmem>>, vector<256x128xf32>
    %dot_general3A = arith.constant dense<0.000000e+00> : vector<256x128xf32>
    %dot_general3A_17 = tpu.matmul %max3A_13, %get3A_16, %dot_general3A {dimension_numbers = #tpu.dot_dimension_numbers<[1], [0], [0], [1], [0, 0, 1, 1], [], []>, transpose_lhs_hint = false} : vector<256x256xf32>, vector<256x128xf32>, vector<256x128xf32> -> vector<256x128xf32>
    %broadcast_in_dim3A_18 = vector.shape_cast %get3A_0 : vector<256xf32> to vector<256x1xf32>
    %mul3A_19 = vector.broadcast %broadcast_in_dim3A_18 : vector<256x1xf32> to vector<256x128xf32>
    %mul3A_20 = arith.mulf %dot_general3A_17, %mul3A_19 : vector<256x128xf32>
    %swap3A = arith.constant 0 : index
    %swap3A_21 = arith.constant 0 : index
    %swap3A_22 = vector.load %arg7[%swap3A, %swap3A_21] : memref<256x128xf32, #tpu.memory_space<vmem>>, vector<256x128xf32>
    tpu.vector_store %arg7[%swap3A, %swap3A_21], %mul3A_20 {strides = array<i32>} : memref<256x128xf32, #tpu.memory_space<vmem>>, vector<256x128xf32>,
    return
  }
  func.func @transform_0(%arg0: i32, %arg1: i32) -> (i32, i32) {
    %c0_i32 = arith.constant 0 : i32
    %c0_i32_0 = arith.constant 0 : i32
    return %arg1, %c0_i32 : i32, i32
  }
  func.func @transform_1(%arg0: i32, %arg1: i32) -> (i32, i32) {
    %add3A = arith.constant 40 : i32
    %add3A_0 = arith.addi %add3A, %arg1 : i32
    %c0_i32 = arith.constant 0 : i32
    %c0_i32_1 = arith.constant 0 : i32
    return %add3A_0, %c0_i32 : i32, i32
  }
  func.func @transform_2(%arg0: i32, %arg1: i32) -> i32 {
    %c0_i32 = arith.constant 0 : i32
    return %arg1 : i32
  }
  func.func @transform_3(%arg0: i32, %arg1: i32) -> i32 {
    %c0_i32 = arith.constant 0 : i32
    %c0_i32_0 = arith.constant 0 : i32
    return %c0_i32 : i32
  }
  func.func @transform_4(%arg0: i32, %arg1: i32) -> (i32, i32) {
    %c0_i32 = arith.constant 0 : i32
    %c0_i32_0 = arith.constant 0 : i32
    return %c0_i32, %arg0 : i32, i32
  }
  func.func @transform_5(%arg0: i32, %arg1: i32) -> (i32, i32) {
    %mul3A = arith.constant 40 : i32
    %mul3A_0 = arith.muli %arg0, %mul3A : i32
    %add3A = arith.addi %mul3A_0, %arg1 : i32
    %c0_i32 = arith.constant 0 : i32
    %c0_i32_1 = arith.constant 0 : i32
    return %add3A, %c0_i32 : i32, i32
  }
}

module attributes {stable_mosaic.version = 14 : i64} {
  func.func @_pool_body(%arg0: i32, %arg1: memref<256x128xf32, #tpu.memory_space<vmem>>, %arg2: memref<256x128xf32, #tpu.memory_space<vmem>>, %arg3: memref<256xf32, #tpu.memory_space<vmem>>, %arg4: memref<256xf32, #tpu.memory_space<vmem>>, %arg5: memref<256xi32, #tpu.memory_space<vmem>>, %arg6: memref<256x10xf32, #tpu.memory_space<vmem>>, %arg7: memref<10xf32, #tpu.memory_space<vmem>>, %arg8: memref<128x10xf32, #tpu.memory_space<vmem>>, %arg9: memref<128x256xf32, #tpu.memory_space<vmem>>, %arg10: memref<128x1xf32, #tpu.memory_space<vmem>>) attributes {dimension_semantics = [#tpu.dimension_semantics<arbitrary>], iteration_bounds = array<i64: 40>, scalar_prefetch = 0 : i64, scratch_operands = 2 : i64, tpu.core_type = #tpu.core_type<tc>, window_params = [{transform_indices = @transform_0, window_bounds = array<i64: 256, 128>}, {transform_indices = @transform_1, window_bounds = array<i64: 256, 128>}, {transform_indices = @transform_2, window_bounds = array<i64: 256>}, {pipeline_mode = #tpu.pipeline_mode<synchronous>, transform_indices = @transform_3, window_bounds = array<i64: 256>}, {transform_indices = @transform_4, window_bounds = array<i64: 256>}, {pipeline_mode = #tpu.pipeline_mode<synchronous>, transform_indices = @transform_5, window_bounds = array<i64: 256, 10>}, {pipeline_mode = #tpu.pipeline_mode<synchronous>, transform_indices = @transform_6, window_bounds = array<i64: 10>}, {pipeline_mode = #tpu.pipeline_mode<synchronous>, transform_indices = @transform_7, window_bounds = array<i64: 128, 10>}]} {
    %eq3A = arith.constant 0 : i32
    %eq3A_0 = arith.cmpi eq, %arg0, %eq3A : i32
    %convert_element_type3A = arith.extui %eq3A_0 : i1 to i32
    %cond3A = arith.constant 0 : i32
    %cond3A_1 = arith.cmpi ne, %convert_element_type3A, %cond3A : i32
    scf.if %cond3A_1 {
      %broadcast_in_dim3A_44 = arith.constant 0.000000e+00 : f32
      %broadcast_in_dim3A_45 = vector.broadcast %broadcast_in_dim3A_44 : f32 to vector<128x256xf32>
      %swap3A_46 = arith.constant 0 : index
      %swap3A_47 = arith.constant 0 : index
      %swap3A_48 = vector.load %arg9[%swap3A_46, %swap3A_47] : memref<128x256xf32, #tpu.memory_space<vmem>>, vector<128x256xf32>
      tpu.vector_store %arg9[%swap3A_46, %swap3A_47], %broadcast_in_dim3A_45 {strides = array<i32>} : memref<128x256xf32, #tpu.memory_space<vmem>>, vector<128x256xf32>,
      %broadcast_in_dim3A_49 = arith.constant 0.000000e+00 : f32
      %broadcast_in_dim3A_50 = vector.broadcast %broadcast_in_dim3A_49 : f32 to vector<128x1xf32>
      %swap3A_51 = arith.constant 0 : index
      %swap3A_52 = arith.constant 0 : index
      %swap3A_53 = vector.load %arg10[%swap3A_51, %swap3A_52] : memref<128x1xf32, #tpu.memory_space<vmem>>, vector<128x1xf32>
      tpu.vector_store %arg10[%swap3A_51, %swap3A_52], %broadcast_in_dim3A_50 {strides = array<i32>} : memref<128x1xf32, #tpu.memory_space<vmem>>, vector<128x1xf32>,
    } else {
    }
    %get3A = arith.constant 0 : index
    %get3A_2 = vector.load %arg3[%get3A] : memref<256xf32, #tpu.memory_space<vmem>>, vector<256xf32>
    %get3A_3 = arith.constant 0 : index
    %get3A_4 = arith.constant 0 : index
    %get3A_5 = vector.load %arg1[%get3A_3, %get3A_4] : memref<256x128xf32, #tpu.memory_space<vmem>>, vector<256x128xf32>
    %get3A_6 = arith.constant 0 : index
    %get3A_7 = arith.constant 0 : index
    %get3A_8 = vector.load %arg2[%get3A_6, %get3A_7] : memref<256x128xf32, #tpu.memory_space<vmem>>, vector<256x128xf32>
    %concatenate3A = tpu.concatenate %get3A_5, %get3A_8 in 1 : vector<256x128xf32>, vector<256x128xf32> -> vector<256x256xf32>
    %broadcast_in_dim3A = vector.shape_cast %get3A_2 : vector<256xf32> to vector<256x1xf32>
    %mul3A = vector.broadcast %broadcast_in_dim3A : vector<256x1xf32> to vector<256x256xf32>
    %mul3A_9 = arith.mulf %concatenate3A, %mul3A : vector<256x256xf32>
    %get3A_10 = arith.constant 0 : index
    %get3A_11 = vector.load %arg4[%get3A_10] : memref<256xf32, #tpu.memory_space<vmem>>, vector<256xf32>
    %broadcast_in_dim3A_12 = vector.shape_cast %get3A_11 : vector<256xf32> to vector<1x256xf32>
    %add3A = vector.broadcast %broadcast_in_dim3A_12 : vector<1x256xf32> to vector<256x256xf32>
    %add3A_13 = arith.addf %mul3A_9, %add3A : vector<256x256xf32>
    %max3A = arith.constant 0.000000e+00 : f32
    %max3A_14 = vector.broadcast %max3A : f32 to vector<256x256xf32>
    %max3A_15 = arith.maximumf %add3A_13, %max3A_14 : vector<256x256xf32>
    %get3A_16 = arith.constant 0 : index
    %get3A_17 = vector.load %arg5[%get3A_16] : memref<256xi32, #tpu.memory_space<vmem>>, vector<256xi32>
    %iota3A = tpu.iota {dimensions = array<i32: 0>} : vector<128x256xi32>
    %broadcast_in_dim3A_18 = vector.shape_cast %get3A_17 : vector<256xi32> to vector<1x256xi32>
    %eq3A_19 = vector.broadcast %broadcast_in_dim3A_18 : vector<1x256xi32> to vector<128x256xi32>
    %eq3A_20 = arith.cmpi eq, %iota3A, %eq3A_19 : vector<128x256xi32>
    %convert_element_type3A_21 = arith.extui %eq3A_20 : vector<128x256xi1> to vector<128x256xi32>
    %convert_element_type3A_22 = arith.sitofp %convert_element_type3A_21 : vector<128x256xi32> to vector<128x256xf32>
    %get3A_23 = arith.constant 0 : index
    %get3A_24 = arith.constant 0 : index
    %get3A_25 = vector.load %arg9[%get3A_23, %get3A_24] : memref<128x256xf32, #tpu.memory_space<vmem>>, vector<128x256xf32>
    %dot_general3A = arith.constant dense<0.000000e+00> : vector<128x256xf32>
    %dot_general3A_26 = tpu.matmul %convert_element_type3A_22, %max3A_15, %dot_general3A {dimension_numbers = #tpu.dot_dimension_numbers<[1], [0], [0], [1], [0, 0, 1, 1], [], []>, transpose_lhs_hint = false} : vector<128x256xf32>, vector<256x256xf32>, vector<128x256xf32> -> vector<128x256xf32>
    %add3A_27 = arith.addf %get3A_25, %dot_general3A_26 : vector<128x256xf32>
    %swap3A = arith.constant 0 : index
    %swap3A_28 = arith.constant 0 : index
    %swap3A_29 = vector.load %arg9[%swap3A, %swap3A_28] : memref<128x256xf32, #tpu.memory_space<vmem>>, vector<128x256xf32>
    tpu.vector_store %arg9[%swap3A, %swap3A_28], %add3A_27 {strides = array<i32>} : memref<128x256xf32, #tpu.memory_space<vmem>>, vector<128x256xf32>,
    %get3A_30 = arith.constant 0 : index
    %get3A_31 = arith.constant 0 : index
    %get3A_32 = vector.load %arg10[%get3A_30, %get3A_31] : memref<128x1xf32, #tpu.memory_space<vmem>>, vector<128x1xf32>
    %reduce_sum3A = arith.constant dense<0.000000e+00> : vector<128xf32>
    %reduce_sum3A_33 = vector.multi_reduction <add>, %convert_element_type3A_22, %reduce_sum3A [1] : vector<128x256xf32> to vector<128xf32>
    %broadcast_in_dim3A_34 = vector.shape_cast %reduce_sum3A_33 : vector<128xf32> to vector<128x1xf32>
    %add3A_35 = arith.addf %get3A_32, %broadcast_in_dim3A_34 : vector<128x1xf32>
    %swap3A_36 = arith.constant 0 : index
    %swap3A_37 = arith.constant 0 : index
    %swap3A_38 = vector.load %arg10[%swap3A_36, %swap3A_37] : memref<128x1xf32, #tpu.memory_space<vmem>>, vector<128x1xf32>
    tpu.vector_store %arg10[%swap3A_36, %swap3A_37], %add3A_35 {strides = array<i32>} : memref<128x1xf32, #tpu.memory_space<vmem>>, vector<128x1xf32>,
    %eq3A_39 = arith.constant 39 : i32
    %eq3A_40 = arith.cmpi eq, %arg0, %eq3A_39 : i32
    %convert_element_type3A_41 = arith.extui %eq3A_40 : i1 to i32
    %cond3A_42 = arith.constant 0 : i32
    %cond3A_43 = arith.cmpi ne, %convert_element_type3A_41, %cond3A_42 : i32
    scf.if %cond3A_43 {
      %get3A_44 = arith.constant 0 : index
      %get3A_45 = arith.constant 0 : index
      %get3A_46 = vector.load %arg9[%get3A_44, %get3A_45] : memref<128x256xf32, #tpu.memory_space<vmem>>, vector<128x256xf32>
      %get3A_47 = arith.constant 0 : index
      %get3A_48 = arith.constant 0 : index
      %get3A_49 = vector.load %arg10[%get3A_47, %get3A_48] : memref<128x1xf32, #tpu.memory_space<vmem>>, vector<128x1xf32>
      %max3A_50 = arith.constant 1.000000e+00 : f32
      %max3A_51 = vector.broadcast %max3A_50 : f32 to vector<128x1xf32>
      %max3A_52 = arith.maximumf %get3A_49, %max3A_51 : vector<128x1xf32>
      %div3A = vector.broadcast %max3A_52 : vector<128x1xf32> to vector<128x256xf32>
      %div3A_53 = arith.divf %get3A_46, %div3A : vector<128x256xf32>
      %get3A_54 = arith.constant 0 : index
      %get3A_55 = arith.constant 0 : index
      %get3A_56 = vector.load %arg6[%get3A_54, %get3A_55] : memref<256x10xf32, #tpu.memory_space<vmem>>, vector<256x10xf32>
      %dot_general3A_57 = arith.constant dense<0.000000e+00> : vector<128x10xf32>
      %dot_general3A_58 = tpu.matmul %div3A_53, %get3A_56, %dot_general3A_57 {dimension_numbers = #tpu.dot_dimension_numbers<[1], [0], [0], [1], [0, 0, 1, 1], [], []>, transpose_lhs_hint = false} : vector<128x256xf32>, vector<256x10xf32>, vector<128x10xf32> -> vector<128x10xf32>
      %get3A_59 = arith.constant 0 : index
      %get3A_60 = vector.load %arg7[%get3A_59] : memref<10xf32, #tpu.memory_space<vmem>>, vector<10xf32>
      %broadcast_in_dim3A_61 = vector.shape_cast %get3A_60 : vector<10xf32> to vector<1x10xf32>
      %add3A_62 = vector.broadcast %broadcast_in_dim3A_61 : vector<1x10xf32> to vector<128x10xf32>
      %add3A_63 = arith.addf %dot_general3A_58, %add3A_62 : vector<128x10xf32>
      %swap3A_64 = arith.constant 0 : index
      %swap3A_65 = arith.constant 0 : index
      %swap3A_66 = vector.load %arg8[%swap3A_64, %swap3A_65] : memref<128x10xf32, #tpu.memory_space<vmem>>, vector<128x10xf32>
      tpu.vector_store %arg8[%swap3A_64, %swap3A_65], %add3A_63 {strides = array<i32>} : memref<128x10xf32, #tpu.memory_space<vmem>>, vector<128x10xf32>,
    } else {
    }
    return
  }
  func.func @transform_0(%arg0: i32) -> (i32, i32) {
    %c0_i32 = arith.constant 0 : i32
    %c0_i32_0 = arith.constant 0 : i32
    return %arg0, %c0_i32 : i32, i32
  }
  func.func @transform_1(%arg0: i32) -> (i32, i32) {
    %add3A = arith.constant 40 : i32
    %add3A_0 = arith.addi %add3A, %arg0 : i32
    %c0_i32 = arith.constant 0 : i32
    %c0_i32_1 = arith.constant 0 : i32
    return %add3A_0, %c0_i32 : i32, i32
  }
  func.func @transform_2(%arg0: i32) -> i32 {
    %c0_i32 = arith.constant 0 : i32
    return %arg0 : i32
  }
  func.func @transform_3(%arg0: i32) -> i32 {
    %c0_i32 = arith.constant 0 : i32
    %c0_i32_0 = arith.constant 0 : i32
    return %c0_i32 : i32
  }
  func.func @transform_4(%arg0: i32) -> i32 {
    %c0_i32 = arith.constant 0 : i32
    return %arg0 : i32
  }
  func.func @transform_5(%arg0: i32) -> (i32, i32) {
    %c0_i32 = arith.constant 0 : i32
    %c0_i32_0 = arith.constant 0 : i32
    %c0_i32_1 = arith.constant 0 : i32
    return %c0_i32, %c0_i32_0 : i32, i32
  }
  func.func @transform_6(%arg0: i32) -> i32 {
    %c0_i32 = arith.constant 0 : i32
    %c0_i32_0 = arith.constant 0 : i32
    return %c0_i32 : i32
  }
  func.func @transform_7(%arg0: i32) -> (i32, i32) {
    %c0_i32 = arith.constant 0 : i32
    %c0_i32_0 = arith.constant 0 : i32
    %c0_i32_1 = arith.constant 0 : i32
    return %c0_i32, %c0_i32_0 : i32, i32
  }
}

</mosaic_0001>

<sc_bundles>
// kernel: kernel.11.cloned.1.call-start
scs
__scs_entry_jumppad:
0x0: {  	(pc) =	sbr.rel $0x88, $3  }
0x1: {  	(tag) =	ssettag $0x0;
	lr =	simm.s32 $0x1  }
0x2: {  	[smem:$0x3F98] =	sst lr;
	_ =	strace $0xD0000000  }
0x3: {  	_ = 	snop  }
0x4: {  	_ = 	snop  }
0x5: {  	_ = 	snop  }
0x6: {  	_ = 	snop  }
0x7: {  	_ = 	snop  }
__scs_overlays_trampoline_lowered:
0x8: {  	[smem:$0x3FA7] =	sst s0  }
0x9: {  	[smem:$0x3FA8] =	sst s1  }
0xa: {  	[smem:$0x3FA9] =	sst s2  }
0xb: {  	[smem:$0x3FAA] =	sst s3  }
0xc: {  	[smem:$0x3FAB] =	sst s4  }
0xd: {  	[smem:$0x3FAC] =	sst s5  }
0xe: {  	[smem:$0x3FAD] =	sst s6  }
0xf: {  	[smem:$0x3FAE] =	sst s7  }
0x10: {  	[smem:$0x3FAF] =	sst s8  }
0x11: {  	[smem:$0x3FB0] =	sst s9;
	s0 =	simm.s32 @!p0 $0x0  }
0x12: {  	s1 =	sld [smem:$0x3F96];
	s0 =	simm.s32 @p0 $0x1  }
0x13: {  	[smem:$0x3FB1] =	sst s0;
	s0 =	simm.s32 @!p1 $0x0  }
0x14: {  	s2 =	sld [smem:$0x3F95];
	s0 =	simm.s32 @p1 $0x1  }
0x15: {  	[smem:$0x3FB2] =	sst s0;
	s0 =	simm.s32 @!p2 $0x0  }
0x16: {  	s3 =	sld [smem:$0x3FDB];
	s0 =	simm.s32 @p2 $0x1  }
0x17: {  	s4 =	simm.s32 $0x1BF5;
	[smem:$0x3FB4] =	sst s0  }
0x18: {  	s0 =	sld [smem:$0x3F97];
	_ =	swait.ge [sflag:s4], $0x0  }
0x19: {  	s7 =	sld [smem:$0x3F98]  }
0x1a: {  	s8 =	sadd.s32 $0xFFFFE003, lr  }
0x1b: {  	s9 =	sadd.s32 $0xFFFFFEF7, lr;
	s5 =	simm.s32 $0xFFFFFFFF;
	p2 =	slt.u32 s8, $0xFFFFF086  }
0x1c: {  	p1 =	slt.u32 s9, $0xF7A;
	s5 =	simm.s32 @!p2 $0x0  }
0x1d: {  	s5 =	simm.s32 @p1 $0x1;
	p0 =	seq.s32 s7, s2  }
0x1e: {  	s7 =	smul.u32 @!p0 $0xF7A, s2;
	p2 =	seq.s32 @!p0 s5, $0x0  }
0x1f: {  	s9 =	smul.u32 $0xF7A, s1;
	s8 =	simm.s32 @!p0 $0x1BF5;
	p2 =	por !p2, p0  }
0x20: {  	[sflag:s8] =	ssyncset.s32 @!p0 $0xFFFFF086;
	s6 =	sadd.s32 @!p0 s3, s7;
	s7 =	simm.s32 @!p0 $0x108  }
0x21: {  	s3 =	sadd.s32 s3, s9;
	s6 =	sadd.s32 @!p0 $0x88, s6;
	s7 =	simm.s32 @p2 $0x1082  }
0x22: {  	[simem:s7], [sflag:s8] =	dma.local @!p0 [hbm:s6], $0xF7A  }
0x23: {  	s9 =	sor.u32 $0xD0000000, s2;
	s6 =	simm.s32 $0x108;
	_ =	swait.ge @!p0 [sflag:s8], $0x0  }
0x24: {  	s3 =	sadd.s32 $0x88, s3;
	s6 =	simm.s32 @!p1 $0x1082;
	[sflag:s4] =	ssyncset.s32 $0xFFFFF086  }
0x25: {  	[simem:s6], [sflag:s4] =	dma.local [hbm:s3], $0xF7A  }
0x26: {  	[smem:$0x3F98] =	sst s1;
	(tag) =	ssettag s2;
	_ =	strace s9  }
0x27: {  	s1 =	sld [smem:$0x3FA8]  }
0x28: {  	s2 =	sld [smem:$0x3FA9]  }
0x29: {  	s4 =	sld [smem:$0x3FAB]  }
0x2a: {  	p0 =	seq.s32 s5, $0x0;
	s5 =	sld [smem:$0x3FAC]  }
0x2b: {  	s6 =	sld [smem:$0x3FAD]  }
0x2c: {  	s7 =	sld [smem:$0x3FAE]  }
0x2d: {  	s3 =	simm.s32 $0x108;
	s8 =	sld [smem:$0x3FAF]  }
0x2e: {  	s3 =	simm.s32 @!p0 $0x1082;
	s9 =	sld [smem:$0x3FB0]  }
0x2f: {  	lr =	sadd.s32 s0, s3;
	s0 =	sld [smem:$0x3FA7]  }
0x30: {  	s3 =	sld [smem:$0x3FAA]  }
0x31: {  	[smem:$0x3FB3] =	sst s10  }
0x32: {  	s10 =	sld [smem:$0x3FB1];
	_ =	sdelay $0x3  }
0x33: {  	p0 =	seq.s32 s10, $0x1;
	s10 =	sld [smem:$0x3FB3];
	_ =	sdelay $0x3  }
0x34: {  	[smem:$0x3FB3] =	sst s10  }
0x35: {  	s10 =	sld [smem:$0x3FB2];
	_ =	sdelay $0x3  }
0x36: {  	p1 =	seq.s32 s10, $0x1;
	s10 =	sld [smem:$0x3FB3];
	_ =	sdelay $0x3  }
0x37: {  	[smem:$0x3FB3] =	sst s10  }
0x38: {  	s10 =	sld [smem:$0x3FB4]  }
0x39: {  	_ = 	snop;
	(pc) =	sbr.ind lr, $3  }
0x3a: {  	_ = 	snop  }
0x3b: {  	_ = 	snop  }
0x3c: {  	p2 =	seq.s32 s10, $0x1;
	s10 =	sld [smem:$0x3FB3]  }
0x3d: {  	_ =	shalt  }
0x3e: {  	_ =	shalt  }
0x3f: {  	_ =	shalt  }
0x40: {  	_ =	shalt  }
0x41: {  	_ =	shalt  }
0x42: {  	_ =	shalt  }
0x43: {  	_ =	shalt  }
0x44: {  	_ =	shalt  }
0x45: {  	_ =	shalt  }
0x46: {  	_ =	shalt  }
0x47: {  	_ =	shalt  }
0x48: {  	_ =	shalt  }
0x49: {  	_ =	shalt  }
0x4a: {  	_ =	shalt  }
0x4b: {  	_ =	shalt  }
0x4c: {  	_ =	shalt  }
0x4d: {  	_ =	shalt  }
0x4e: {  	_ =	shalt  }
0x4f: {  	_ =	shalt  }
0x50: {  	_ =	shalt  }
0x51: {  	_ =	shalt  }
0x52: {  	_ =	shalt  }
0x53: {  	_ =	shalt  }
0x54: {  	_ =	shalt  }
0x55: {  	_ =	shalt  }
0x56: {  	_ =	shalt  }
0x57: {  	_ =	shalt  }
0x58: {  	_ =	shalt  }
0x59: {  	_ =	shalt  }
0x5a: {  	_ =	shalt  }
0x5b: {  	_ =	shalt  }
0x5c: {  	_ =	shalt  }
0x5d: {  	_ =	shalt  }
0x5e: {  	_ =	shalt  }
0x5f: {  	_ =	shalt  }
0x60: {  	_ =	shalt  }
0x61: {  	_ =	shalt  }
0x62: {  	_ =	shalt  }
0x63: {  	_ =	shalt  }
0x64: {  	_ =	shalt  }
0x65: {  	_ =	shalt  }
0x66: {  	_ =	shalt  }
0x67: {  	_ =	shalt  }
0x68: {  	_ =	shalt  }
0x69: {  	_ =	shalt  }
0x6a: {  	_ =	shalt  }
0x6b: {  	_ =	shalt  }
0x6c: {  	_ =	shalt  }
0x6d: {  	_ =	shalt  }
0x6e: {  	_ =	shalt  }
0x6f: {  	_ =	shalt  }
0x70: {  	_ =	shalt  }
0x71: {  	_ =	shalt  }
0x72: {  	_ =	shalt  }
0x73: {  	_ =	shalt  }
0x74: {  	_ =	shalt  }
0x75: {  	_ =	shalt  }
0x76: {  	_ =	shalt  }
0x77: {  	_ =	shalt  }
0x78: {  	_ =	shalt  }
0x79: {  	_ =	shalt  }
0x7a: {  	_ =	shalt  }
0x7b: {  	_ =	shalt  }
0x7c: {  	_ =	shalt  }
0x7d: {  	_ =	shalt  }
0x7e: {  	_ =	shalt  }
0x7f: {  	_ =	shalt  }
0x80: {  	_ =	shalt  }
0x81: {  	_ =	shalt  }
0x82: {  	_ =	shalt  }
0x83: {  	_ =	shalt  }
0x84: {  	_ =	shalt  }
0x85: {  	_ =	shalt  }
0x86: {  	_ =	shalt  }
0x87: {  	_ =	shalt  }
.Lfunc_end0:
.L_simem_size_0:
called_computation.1_lowered:
.L_overlay_start_0:
0x88: {  	s2 =	sld [smem:$0x3FD9]  }
0x89: {  	s3 =	sld [smem:$0x3FFE];
	_ =	sdelay $0x1  }
0x8a: {  	s1 =	srdreg.scid  }
0x8b: {  	s0 =	sand.u32 $0x1, s1  }
0x8c: {  	s16 =	sshll.u32 s0, $0xA;
	s2 =	sadd.s32 s3, s2  }
0x8d: {  	s2 =	sadd.s32 s2, s16  }
0x8e: {  	[smem:$0x3FBF] =	sst s2  }
0x8f: {  	_ = 	snop  }
0x90: {  	(tm) =	ssettm $0x1  }
0x91: {  	s17 =	sld [smem:$0x3FFB];
	_ =	sdelay $0x3  }
0x92: {  	_ =	strace s17  }
0x93: {  	s2 =	sld [smem:$0x3FFC];
	_ =	sdelay $0x3  }
0x94: {  	_ =	strace s2  }
0x95: {  	s2 =	sld [smem:$0x3FFD];
	_ =	sdelay $0x3  }
0x96: {  	_ =	strace s2  }
0x97: {  	_ =	strace $0x8FFFFFFF  }
0x98: {  	s18 =	sld [smem:$0x3FDB];
	_ =	sdelay $0x1  }
0x99: {  	s19 =	simm.s32 $_scs_section_size  }
0x9a: {  	s4 =	simm.s32 $_size__tile_overlayer_lowered;
	s5 =	simm.s32 $_tile_overlayer_lowered  }
0x9b: {  	s22 =	simm.s32 $0x1BFF;
	s21 =	sshll.u32 s5, $0x1;
	s2 =	sadd.s32 s19, s18  }
0x9c: {  	s6 =	simm.s32 $0x0;
	s20 =	sshll.u32 s4, $0x1;
	s4 =	sadd.s32 s21, s2  }
0x9d: {  	[timem:s6], [sflag:s22] =	dma.local [hbm:s4], s20  }
0x9e: {  	_ =	swait.ge [sflag:s22], s20  }
0x9f: {  	s3 =	ssub.s32 $0x0, s20;
	[sflag:s22] =	ssyncset.done $0x0  }
0xa0: {  	[sflag:s22] =	ssyncadd.s32 s3;
	_ =	sdelay $0x1  }
0xa1: {  	s23 =	simm.s32 $0x1B8B  }
0xa2: {  	_ =	swait.ge [sflag:s23], $0x1  }
0xa3: {  	[sflag:s23] =	ssyncset.done $0x0  }
0xa4: {  	s25 =	simm.s32 $0x1B8E;
	s24 =	sld [smem:$0x3FFE];
	[sflag:s23] =	ssyncadd.s32 $0xFFFFFFFF  }
0xa5: {  	s26 =	simm.s32 $execute0_lowered;
	[smem:$0x3FD2] =	sst s25  }
0xa6: {  	s4 =	sshll.u32 s26, $0x1;
	_ =	strace $0x80000049;
	[dreg:$0x1] =	wrdreg $0xFFFFFFFF  }
0xa7: {  	s28 =	simm.s32 $_size_execute0_lowered;
	s2 =	sadd.s32 s2, s4;
	[dreg:$0x0] =	wrdreg $0x0  }
0xa8: {  	s4 =	sshll.u32 s28, $0x1;
	[dreg:$0x2] =	wrdreg s2  }
0xa9: {  	[dreg:$0x3] =	wrdreg s4  }
0xaa: {  	[dreg:$0x4] =	wrdreg $0xC0  }
0xab: {  	_ =	task [dreg:s6], $0x5FFFF  }
0xac: {  	[dreg:$0x1] =	wrdreg $0xFFFFFFFF  }
0xad: {  	[dreg:$0x0] =	wrdreg $0x60  }
0xae: {  	[dreg:$0x2] =	wrdreg s24  }
0xaf: {  	[dreg:$0x3] =	wrdreg $0x0  }
0xb0: {  	[dreg:$0x4] =	wrdreg $0x9  }
0xb1: {  	_ =	task.clear_ibuf [dreg:s6], $0x5FFFF;
	_ =	strace $0x90000049  }
0xb2: {  	s29 =	simm.s32 $0x9;
	_ =	strace $0x8000004B  }
0xb3: {  	_ =	swait.ge [sflag:s29], $0x1  }
0xb4: {  	[sflag:s29] =	ssyncadd.s32 $0xFFFFFFFF  }
0xb5: {  	_ =	strace $0x9000004B  }
0xb6: {  	_ =	sfence  }
0xb7: {  	s30 =	sld [smem:$0x0];
	_ =	sdelay $0x2  }
0xb8: {  	s31 =	sshll.u32 s1, $0xD;
	s1 =	sshrl.u32 s1, $0x2  }
0xb9: {  	s3 =	sand.u32 $0x4000, s31;
	s1 =	sadd.s32 s1, s30  }
0xba: {  	s0 =	sor.u32 s3, s0;
	s1 =	sshll.u32 s1, $0x11  }
0xbb: {  	s0 =	sor.u32 s1, s0  }
0xbc: {  	s0 =	sadd.s32 $0x8F2B, s0  }
0xbd: {  	[sflag:s0] =	ssyncadd.remote.s32 $0x1  }
0xbe: {  	_ =	sfence.sel $0xFFFF  }
0xbf: {  	[dreg:$0x0] =	wrdreg $0xFFFFFFFF;
	(pc) =	sbr.abs _section_cstart, $3  }
0xc0: {  	[dreg:$0x1] =	wrdreg $0xFFFFFFFF  }
0xc1: {  	_ =	task.clear_ibuf [dreg:s6], $0x2FFFF;
	_ =	strace $0x9FFFFFFF  }
0xc2: {  	(tm) =	ssettm $0x7FFFFFFF  }
0xc3: {  	_ =	shalt  }
tec
execute0_lowered:
.L_overlay_start_1:
0x0: {  	(tag) =	ssettag $0x1  }
0x1: {  	s0 =	rddreg [dreg:$0x0]  }
0x2: {  	s1 =	rddreg [dreg:$0x1]  }
0x3: {  	s3 =	simm.s32 $0x0;
	s2 =	srdreg.scid;
	s12 =	stileid.u32  }
0x4: {  	s29 =	simm.s32 $0x14200;
	s30 =	simm.s32 $0x5;
	s6 =	smul.u32 $0x4E80, s12  }
0x5: {  	s31 =	simm.s32 $0x14000;
	[smem:$0x7FF] =	sst s3;
	s21 =	smul.u32 $0x280, s12  }
0x6: {  	s2 =	sand.u32 $0x1, s2;
	s4 =	sadd.s32 $0x2A000, s0;
	s22 =	smul.u32 $0x50000, s12  }
0x7: {  	s5 =	sadd.s32 $0x16400, s0;
	s8 =	sadd.s32 $0x2600, s0;
	s12 =	smul.u32 $0x9D0, s12  }
0x8: {  	s0 =	sadd.s32 $0x7A000, s0;
	s7 =	smul.u32 $0x4E800, s2;
	s9 =	ssub.s32 $0x2, s2  }
0x9: {  	_ =	strace $0x8000004A;
	s2 =	smul.u32 $0x2800, s2;
	s10 =	sshrl.u32 s9, $0x1  }
0xa: {  	s24 =	sshrl.u32 s22, $0x2;
	s20 =	sadd.s32 s12, s8;
	s12 =	simm.s32 $0x3  }
0xb: {  	s7 =	sadd.s32 s6, s7;
	s10 =	ssub.s32 s9, s10;
	s6 =	sshrl.u32 s6, $0x3  }
0xc: {  	s2 =	sadd.s32 s2, s21;
	s9 =	sadd.s32 s24, s1;
	s11 =	sshrl.u32 s7, $0x3  }
0xd: {  	s6 =	sadd.s32 s8, s6;
	s2 =	sshll.u32 s2, $0x4;
	s25 =	smax.u32 s10, $0x1  }
0xe: {  	s13 =	sadd.s32 s5, s11;
	s6 =	sadd.s32 $0x9C0, s6;
	[dreg:$0x6] =	wrdreg s25  }
0xf: {  	s26 =	sadd.s32 $0x800, s2;
	s14 =	sadd.s32 s4, s2;
	[dreg:$0x3] =	wrdreg s13  }
0x10: {  	s16 =	sadd.s32 $0x1000, s2;
	s18 =	sadd.s32 $0x1800, s2;
	[dreg:$0x5] =	wrdreg s6  }
0x11: {  	s19 =	sadd.s32 $0x2000, s2;
	s2 =	sadd.s32 s0, s2;
	[dreg:$0x7] =	wrdreg s14  }
0x12: {  	s28 =	sadd.s32 $0x10000, s9;
	s23 =	sadd.s32 $0x10, s13;
	[dreg:$0xb] =	wrdreg s2  }
0x13: {  	s8 =	simm.s32 $0x1;
	s15 =	sadd.s32 s4, s26;
	[dreg:$0x4] =	wrdreg s23  }
0x14: {  	s10 =	simm.s32 $0x14180;
	s17 =	sadd.s32 s4, s16;
	[dreg:$0x8] =	wrdreg s15  }
0x15: {  	s11 =	simm.s32 $0x2;
	s14 =	sadd.s32 s4, s18;
	[dreg:$0x9] =	wrdreg s17  }
0x16: {  	s13 =	sadd.s32 $0x4000, s9;
	s21 =	sadd.s32 s0, s26;
	[dreg:$0xa] =	wrdreg s14  }
0x17: {  	s22 =	sadd.s32 s0, s16;
	s24 =	sadd.s32 s0, s18;
	[dreg:$0xc] =	wrdreg s21  }
0x18: {  	s0 =	sadd.s32 s0, s19;
	s26 =	sadd.s32 s4, s19;
	[dreg:$0xd] =	wrdreg s22  }
0x19: {  	s2 =	simm.s32 $0x14080;
	s6 =	simm.s32 $0x18200;
	[dreg:$0xe] =	wrdreg s24  }
0x1a: {  	s16 =	simm.s32 $0x0;
	s15 =	sadd.s32 $0x8000, s9;
	[dreg:$0xf] =	wrdreg s0  }
0x1b: {  	s23 =	sadd.s32 $0x180, s7;
	[dreg:$0x10] =	wrdreg s26;
	s26 =	sadd.s32 $0xC000, s9  }
0x1c: {  	s0 =	simm.s32 $0x80;
	s14 =	simm.s32 $0x4;
	s25 =	sshrl.u32 s23, $0x3  }
0x1d: {  	s24 =	sadd.s32 s25, s5;
	s25 =	sadd.s32 $0x100, s7;
	s7 =	simm.s32 $0x14100  }
.LBB2_1:
0x1e: {  	s17 =	rddreg [dreg:$0x7]  }
0x1f: {  	[tilespmem:s29], [sflag:$0x5] =	stream.linear.gather [hbm4b:s17+s3], $0x4000, $0x38;
	[tilespmem:$0x1C200] =	vst v63  }
0x20: {  	_ =	swait.ge [sflag:s30], $0x4000  }
0x21: {  	[sflag:s30] =	ssyncset.done $0x0  }
0x22: {  	[sflag:s30] =	ssyncadd.s32 $0xFFFFC000  }
0x23: {  	[spmem:s9] =	stream.linear.scatter [tilespmem:s29], [sflag:$0x5], $0x4000, $0x38;
	[tilespmem:$0x1C200] =	vst v63  }
0x24: {  	_ =	swait.ge [sflag:s30], $0x4000  }
0x25: {  	[sflag:s30] =	ssyncset.done $0x0  }
0x26: {  	s21 =	rddreg [dreg:$0x8];
	[sflag:s30] =	ssyncadd.s32 $0xFFFFC000  }
0x27: {  	[tilespmem:s29], [sflag:$0x5] =	stream.linear.gather [hbm4b:s21+s3], $0x4000, $0x38;
	[tilespmem:$0x1C200] =	vst v63  }
0x28: {  	_ =	swait.ge [sflag:s30], $0x4000  }
0x29: {  	[sflag:s30] =	ssyncset.done $0x0  }
0x2a: {  	[sflag:s30] =	ssyncadd.s32 $0xFFFFC000  }
0x2b: {  	[spmem:s13] =	stream.linear.scatter [tilespmem:s29], [sflag:$0x5], $0x4000, $0x38;
	[tilespmem:$0x1C200] =	vst v63  }
0x2c: {  	_ =	swait.ge [sflag:s30], $0x4000  }
0x2d: {  	[sflag:s30] =	ssyncset.done $0x0  }
0x2e: {  	s22 =	rddreg [dreg:$0x9];
	[sflag:s30] =	ssyncadd.s32 $0xFFFFC000  }
0x2f: {  	[tilespmem:s29], [sflag:$0x5] =	stream.linear.gather [hbm4b:s22+s3], $0x4000, $0x38;
	[tilespmem:$0x1C200] =	vst v63  }
0x30: {  	_ =	swait.ge [sflag:s30], $0x4000  }
0x31: {  	[sflag:s30] =	ssyncset.done $0x0  }
0x32: {  	[sflag:s30] =	ssyncadd.s32 $0xFFFFC000  }
0x33: {  	[spmem:s15] =	stream.linear.scatter [tilespmem:s29], [sflag:$0x5], $0x4000, $0x38;
	[tilespmem:$0x1C200] =	vst v63  }
0x34: {  	_ =	swait.ge [sflag:s30], $0x4000  }
0x35: {  	[sflag:s30] =	ssyncset.done $0x0  }
0x36: {  	s23 =	rddreg [dreg:$0xa];
	[sflag:s30] =	ssyncadd.s32 $0xFFFFC000  }
0x37: {  	[tilespmem:s29], [sflag:$0x5] =	stream.linear.gather [hbm4b:s23+s3], $0x4000, $0x38;
	[tilespmem:$0x1C200] =	vst v63  }
0x38: {  	_ =	swait.ge [sflag:s30], $0x4000  }
0x39: {  	[sflag:s30] =	ssyncset.done $0x0  }
0x3a: {  	[sflag:s30] =	ssyncadd.s32 $0xFFFFC000  }
0x3b: {  	[spmem:s26] =	stream.linear.scatter [tilespmem:s29], [sflag:$0x5], $0x4000, $0x38;
	[tilespmem:$0x1C200] =	vst v63  }
0x3c: {  	_ =	swait.ge [sflag:s30], $0x4000  }
0x3d: {  	[sflag:s30] =	ssyncset.done $0x0  }
0x3e: {  	s18 =	rddreg [dreg:$0x10];
	[sflag:s30] =	ssyncadd.s32 $0xFFFFC000  }
0x3f: {  	[tilespmem:s29], [sflag:$0x5] =	stream.linear.gather [hbm4b:s18+s3], $0x4000, $0x38;
	[tilespmem:$0x1C200] =	vst v63  }
0x40: {  	_ =	swait.ge [sflag:s30], $0x4000  }
0x41: {  	[sflag:s30] =	ssyncset.done $0x0  }
0x42: {  	[sflag:s30] =	ssyncadd.s32 $0xFFFFC000  }
0x43: {  	[spmem:s28] =	stream.linear.scatter [tilespmem:s29], [sflag:$0x5], $0x4000, $0x38;
	[tilespmem:$0x1C200] =	vst v63  }
0x44: {  	_ =	swait.ge [sflag:s30], $0x4000  }
0x45: {  	[sflag:s30] =	ssyncset.done $0x0  }
0x46: {  	[sflag:s30] =	ssyncadd.s32 $0xFFFFC000  }
0x47: {  	[bflag:$0x0] =	sbarrier.arrive $0xFFFF  }
0x48: {  	s19 =	rddreg [dreg:$0x3]  }
0x49: {  	[tilespmem:s31], [sflag:$0x5] =	stream.linear.gather [hbm4b:s19+s3], $0x80, $0x38;
	[tilespmem:$0x1C200] =	vst v63  }
0x4a: {  	_ =	swait.ge [sflag:s30], $0x80  }
0x4b: {  	[sflag:s30] =	ssyncset.done $0x0  }
0x4c: {  	[sflag:s30] =	ssyncadd.s32 $0xFFFFFF80  }
0x4d: {  	[tilespmem:s29], [sflag:$0x1] =	stream.indirect.gather [hbm4b:s4+s0], $0x80, s31, s0, $0xb8;
	[tilespmem:$0x1C200] =	vst v63  }
0x4e: {  	s21 =	rddreg [dreg:$0x4]  }
0x4f: {  	[tilespmem:s2], [sflag:$0x5] =	stream.linear.gather [hbm4b:s21+s3], $0x80, $0x38;
	[tilespmem:$0x1C200] =	vst v63  }
0x50: {  	_ =	swait.ge [sflag:s30], $0x80  }
0x51: {  	[sflag:s30] =	ssyncset.done $0x0  }
0x52: {  	s22 =	sadd.s32 $0x0, s20;
	[sflag:s30] =	ssyncadd.s32 $0xFFFFFF80  }
0x53: {  	[tilespmem:s7], [sflag:$0x5] =	stream.linear.gather [hbm4b:s22+s3], $0x80, $0x38;
	[tilespmem:$0x1C200] =	vst v63  }
0x54: {  	_ =	swait.ge [sflag:s30], $0x80  }
0x55: {  	[sflag:s30] =	ssyncset.done $0x0  }
0x56: {  	[sflag:s30] =	ssyncadd.s32 $0xFFFFFF80  }
0x57: {  	_ =	swait.ge [sflag:s8], $0x4000  }
0x58: {  	[sflag:s8] =	ssyncset.done $0x0  }
0x59: {  	s18 =	sshrl.u32 s25, $0x3;
	[sflag:s8] =	ssyncadd.s32 $0xFFFFC000  }
0x5a: {  	[tilespmem:s6], [sflag:$0x2] =	stream.indirect.gather [hbm4b:s4+s0], $0x80, s2, s0, $0xb8;
	[tilespmem:$0x1C200] =	vst v63  }
0x5b: {  	s18 =	sadd.s32 s5, s18  }
0x5c: {  	[tilespmem:s31], [sflag:$0x3] =	stream.linear.gather [hbm4b:s18+s3], $0x80, $0x38;
	[tilespmem:$0x1C200] =	vst v63  }
0x5d: {  	_ = 	snop  }
0x5e: {  	[spmem:s1] =	stream.indirect.scatter.add.f32 [tilespmem:s29], [sflag:$0x5], $0x80, s7, s0, $0xb8;
	[tilespmem:$0x1C200] =	vst v63  }
0x5f: {  	_ =	swait.ge [sflag:s30], $0x4000  }
0x60: {  	[sflag:s30] =	ssyncset.done $0x0  }
0x61: {  	s17 =	sadd.s32 $0x10, s22;
	[sflag:s30] =	ssyncadd.s32 $0xFFFFC000  }
0x62: {  	[tilespmem:s10], [sflag:$0x5] =	stream.linear.gather [hbm4b:s17+s3], $0x80, $0x38;
	[tilespmem:$0x1C200] =	vst v63  }
0x63: {  	_ =	swait.ge [sflag:s30], $0x80  }
0x64: {  	[sflag:s30] =	ssyncset.done $0x0  }
0x65: {  	[sflag:s30] =	ssyncadd.s32 $0xFFFFFF80  }
0x66: {  	_ =	swait.ge [sflag:s11], $0x4000  }
0x67: {  	[sflag:s11] =	ssyncset.done $0x0  }
0x68: {  	[sflag:s11] =	ssyncadd.s32 $0xFFFFC000  }
0x69: {  	_ =	swait.ge [sflag:s12], $0x80  }
0x6a: {  	[sflag:s12] =	ssyncset.done $0x0  }
0x6b: {  	[sflag:s12] =	ssyncadd.s32 $0xFFFFFF80  }
0x6c: {  	[tilespmem:s29], [sflag:$0x1] =	stream.indirect.gather [hbm4b:s4+s0], $0x80, s31, s0, $0xb8;
	[tilespmem:$0x1C200] =	vst v63  }
0x6d: {  	s23 =	sadd.s32 $0x0, s24  }
0x6e: {  	[tilespmem:s2], [sflag:$0x4] =	stream.linear.gather [hbm4b:s23+s3], $0x80, $0x38;
	[tilespmem:$0x1C200] =	vst v63  }
0x6f: {  	_ = 	snop  }
0x70: {  	[spmem:s1] =	stream.indirect.scatter.add.f32 [tilespmem:s6], [sflag:$0x5], $0x80, s10, s0, $0xb8;
	[tilespmem:$0x1C200] =	vst v63  }
0x71: {  	_ =	swait.ge [sflag:s30], $0x4000  }
0x72: {  	[sflag:s30] =	ssyncset.done $0x0  }
0x73: {  	[sflag:s30] =	ssyncadd.s32 $0xFFFFC000  }
0x74: {  	s19 =	simm.s32 $0x40;
	_ =	swait.ge [sflag:s14], $0x80  }
0x75: {  	s18 =	sadd.s32 $0x100, s25;
	s17 =	simm.s32 $0x20;
	[sflag:s14] =	ssyncset.done $0x0  }
.LBB2_2:
0x76: {  	s22 =	sadd.s32 s17, s20  }
0x77: {  	[sflag:s14] =	ssyncadd.s32 $0xFFFFFF80;
	s23 =	smov.u32 s19;
	s21 =	sadd.s32 $0x20, s19  }
0x78: {  	[tilespmem:s7], [sflag:$0x5] =	stream.linear.gather [hbm4b:s22+s3], $0x80, $0x38;
	[tilespmem:$0x1C200] =	vst v63  }
0x79: {  	p0 =	sne.s32 s19, $0x9A0;
	_ =	swait.ge [sflag:s30], $0x80  }
0x7a: {  	[sflag:s30] =	ssyncset.done $0x0  }
0x7b: {  	[sflag:s30] =	ssyncadd.s32 $0xFFFFFF80  }
0x7c: {  	_ =	swait.ge [sflag:s8], $0x4000  }
0x7d: {  	[sflag:s8] =	ssyncset.done $0x0  }
0x7e: {  	s19 =	sshrl.u32 s18, $0x3;
	[sflag:s8] =	ssyncadd.s32 $0xFFFFC000  }
0x7f: {  	[tilespmem:s6], [sflag:$0x2] =	stream.indirect.gather [hbm4b:s4+s0], $0x80, s2, s0, $0xb8;
	[tilespmem:$0x1C200] =	vst v63  }
0x80: {  	s19 =	sadd.s32 s5, s19  }
0x81: {  	[tilespmem:s31], [sflag:$0x3] =	stream.linear.gather [hbm4b:s19+s3], $0x80, $0x38;
	[tilespmem:$0x1C200] =	vst v63  }
0x82: {  	_ = 	snop  }
0x83: {  	[spmem:s1] =	stream.indirect.scatter.add.f32 [tilespmem:s29], [sflag:$0x5], $0x80, s7, s0, $0xb8;
	[tilespmem:$0x1C200] =	vst v63  }
0x84: {  	_ =	swait.ge [sflag:s30], $0x4000  }
0x85: {  	[sflag:s30] =	ssyncset.done $0x0  }
0x86: {  	s19 =	sadd.s32 $0x10, s22;
	[sflag:s30] =	ssyncadd.s32 $0xFFFFC000  }
0x87: {  	[tilespmem:s10], [sflag:$0x5] =	stream.linear.gather [hbm4b:s19+s3], $0x80, $0x38;
	[tilespmem:$0x1C200] =	vst v63  }
0x88: {  	_ =	swait.ge [sflag:s30], $0x80  }
0x89: {  	[sflag:s30] =	ssyncset.done $0x0  }
0x8a: {  	[sflag:s30] =	ssyncadd.s32 $0xFFFFFF80  }
0x8b: {  	_ =	swait.ge [sflag:s11], $0x4000  }
0x8c: {  	[sflag:s11] =	ssyncset.done $0x0  }
0x8d: {  	[sflag:s11] =	ssyncadd.s32 $0xFFFFC000  }
0x8e: {  	_ =	swait.ge [sflag:s12], $0x80  }
0x8f: {  	[sflag:s12] =	ssyncset.done $0x0  }
0x90: {  	[sflag:s12] =	ssyncadd.s32 $0xFFFFFF80  }
0x91: {  	[tilespmem:s29], [sflag:$0x1] =	stream.indirect.gather [hbm4b:s4+s0], $0x80, s31, s0, $0xb8;
	[tilespmem:$0x1C200] =	vst v63  }
0x92: {  	s19 =	sadd.s32 s17, s24;
	s17 =	smov.u32 s23  }
0x93: {  	[tilespmem:s2], [sflag:$0x4] =	stream.linear.gather [hbm4b:s19+s3], $0x80, $0x38;
	[tilespmem:$0x1C200] =	vst v63  }
0x94: {  	_ = 	snop  }
0x95: {  	[spmem:s1] =	stream.indirect.scatter.add.f32 [tilespmem:s6], [sflag:$0x5], $0x80, s10, s0, $0xb8;
	[tilespmem:$0x1C200] =	vst v63  }
.Ltmp0:
0x96: {  	_ =	swait.ge [sflag:s30], $0x4000;
	(pc) =	sbr.rel @p0 .LBB2_2-.Ltmp0, $4  }
0x97: {  	[sflag:s30] =	ssyncset.done $0x0  }
0x98: {  	[sflag:s30] =	ssyncadd.s32 $0xFFFFC000  }
0x99: {  	_ =	swait.ge [sflag:s14], $0x80  }
0x9a: {  	s18 =	sadd.s32 $0x100, s18;
	s19 =	smov.u32 s21;
	[sflag:s14] =	ssyncset.done $0x0  }
0x9b: {  	s19 =	sadd.s32 s17, s20;
	[sflag:s14] =	ssyncadd.s32 $0xFFFFFF80  }
0x9c: {  	[tilespmem:s7], [sflag:$0x5] =	stream.linear.gather [hbm4b:s19+s3], $0x80, $0x38;
	[tilespmem:$0x1C200] =	vst v63  }
0x9d: {  	_ =	swait.ge [sflag:s30], $0x80  }
0x9e: {  	[sflag:s30] =	ssyncset.done $0x0  }
0x9f: {  	[sflag:s30] =	ssyncadd.s32 $0xFFFFFF80  }
0xa0: {  	_ =	swait.ge [sflag:s8], $0x4000  }
0xa1: {  	[sflag:s8] =	ssyncset.done $0x0  }
0xa2: {  	s18 =	sshrl.u32 s18, $0x3;
	[sflag:s8] =	ssyncadd.s32 $0xFFFFC000  }
0xa3: {  	[tilespmem:s6], [sflag:$0x2] =	stream.indirect.gather [hbm4b:s4+s0], $0x80, s2, s0, $0xb8;
	[tilespmem:$0x1C200] =	vst v63  }
0xa4: {  	s18 =	sadd.s32 s5, s18  }
0xa5: {  	[tilespmem:s31], [sflag:$0x3] =	stream.linear.gather [hbm4b:s18+s3], $0x80, $0x38;
	[tilespmem:$0x1C200] =	vst v63  }
0xa6: {  	_ = 	snop  }
0xa7: {  	[spmem:s1] =	stream.indirect.scatter.add.f32 [tilespmem:s29], [sflag:$0x5], $0x80, s7, s0, $0xb8;
	[tilespmem:$0x1C200] =	vst v63  }
0xa8: {  	_ =	swait.ge [sflag:s30], $0x4000  }
0xa9: {  	[sflag:s30] =	ssyncset.done $0x0  }
0xaa: {  	s19 =	sadd.s32 $0x10, s19;
	[sflag:s30] =	ssyncadd.s32 $0xFFFFC000  }
0xab: {  	[tilespmem:s10], [sflag:$0x5] =	stream.linear.gather [hbm4b:s19+s3], $0x80, $0x38;
	[tilespmem:$0x1C200] =	vst v63  }
0xac: {  	_ =	swait.ge [sflag:s30], $0x80  }
0xad: {  	[sflag:s30] =	ssyncset.done $0x0  }
0xae: {  	[sflag:s30] =	ssyncadd.s32 $0xFFFFFF80  }
0xaf: {  	_ =	swait.ge [sflag:s11], $0x4000  }
0xb0: {  	[sflag:s11] =	ssyncset.done $0x0  }
0xb1: {  	[sflag:s11] =	ssyncadd.s32 $0xFFFFC000  }
0xb2: {  	_ =	swait.ge [sflag:s12], $0x80  }
0xb3: {  	[sflag:s12] =	ssyncset.done $0x0  }
0xb4: {  	[sflag:s12] =	ssyncadd.s32 $0xFFFFFF80  }
0xb5: {  	[tilespmem:s29], [sflag:$0x1] =	stream.indirect.gather [hbm4b:s4+s0], $0x80, s31, s0, $0xb8;
	[tilespmem:$0x1C200] =	vst v63  }
0xb6: {  	s21 =	sadd.s32 s17, s24  }
0xb7: {  	[tilespmem:s2], [sflag:$0x4] =	stream.linear.gather [hbm4b:s21+s3], $0x80, $0x38;
	[tilespmem:$0x1C200] =	vst v63  }
0xb8: {  	_ = 	snop  }
0xb9: {  	[spmem:s1] =	stream.indirect.scatter.add.f32 [tilespmem:s6], [sflag:$0x5], $0x80, s10, s0, $0xb8;
	[tilespmem:$0x1C200] =	vst v63  }
0xba: {  	_ =	swait.ge [sflag:s30], $0x4000  }
0xbb: {  	[sflag:s30] =	ssyncset.done $0x0  }
0xbc: {  	[sflag:s30] =	ssyncadd.s32 $0xFFFFC000  }
0xbd: {  	_ =	swait.ge [sflag:s14], $0x80  }
0xbe: {  	[sflag:s14] =	ssyncset.done $0x0  }
0xbf: {  	s22 =	rddreg [dreg:$0x5];
	[sflag:s14] =	ssyncadd.s32 $0xFFFFFF80  }
0xc0: {  	[tilespmem:s7], [sflag:$0x5] =	stream.linear.gather [hbm4b:s22+s3], $0x80, $0x38;
	[tilespmem:$0x1C200] =	vst v63  }
0xc1: {  	_ =	swait.ge [sflag:s30], $0x80  }
0xc2: {  	[sflag:s30] =	ssyncset.done $0x0  }
0xc3: {  	[sflag:s30] =	ssyncadd.s32 $0xFFFFFF80  }
0xc4: {  	_ =	swait.ge [sflag:s8], $0x4000  }
0xc5: {  	[sflag:s8] =	ssyncset.done $0x0  }
0xc6: {  	[sflag:s8] =	ssyncadd.s32 $0xFFFFC000  }
0xc7: {  	[spmem:s1] =	stream.indirect.scatter.add.f32 [tilespmem:s29], [sflag:$0x5], $0x80, s7, s0, $0xb8;
	[tilespmem:$0x1C200] =	vst v63  }
0xc8: {  	_ =	swait.ge [sflag:s30], $0x4000  }
0xc9: {  	[sflag:s30] =	ssyncset.done $0x0  }
0xca: {  	[sflag:s30] =	ssyncadd.s32 $0xFFFFC000  }
0xcb: {  	[bflag:$0x0] =	sbarrier.arrive $0xFFFF  }
0xcc: {  	[tilespmem:s29], [sflag:$0x5] =	stream.linear.gather [spmem:s9], $0x4000, $0x38;
	[tilespmem:$0x1C200] =	vst v63  }
0xcd: {  	_ =	swait.ge [sflag:s30], $0x4000  }
0xce: {  	[sflag:s30] =	ssyncset.done $0x0  }
0xcf: {  	s23 =	rddreg [dreg:$0xb];
	[sflag:s30] =	ssyncadd.s32 $0xFFFFC000  }
0xd0: {  	[hbm4b:s23+s3] =	stream.linear.scatter [tilespmem:s29], [sflag:$0x5], $0x4000, $0x38;
	[tilespmem:$0x1C200] =	vst v63  }
0xd1: {  	_ =	swait.ge [sflag:s30], $0x4000  }
0xd2: {  	[sflag:s30] =	ssyncset.done $0x0  }
0xd3: {  	[sflag:s30] =	ssyncadd.s32 $0xFFFFC000  }
0xd4: {  	[tilespmem:s29], [sflag:$0x5] =	stream.linear.gather [spmem:s13], $0x4000, $0x38;
	[tilespmem:$0x1C200] =	vst v63  }
0xd5: {  	_ =	swait.ge [sflag:s30], $0x4000  }
0xd6: {  	[sflag:s30] =	ssyncset.done $0x0  }
0xd7: {  	s18 =	rddreg [dreg:$0xc];
	[sflag:s30] =	ssyncadd.s32 $0xFFFFC000  }
0xd8: {  	[hbm4b:s18+s3] =	stream.linear.scatter [tilespmem:s29], [sflag:$0x5], $0x4000, $0x38;
	[tilespmem:$0x1C200] =	vst v63  }
0xd9: {  	_ =	swait.ge [sflag:s30], $0x4000  }
0xda: {  	[sflag:s30] =	ssyncset.done $0x0  }
0xdb: {  	[sflag:s30] =	ssyncadd.s32 $0xFFFFC000  }
0xdc: {  	[tilespmem:s29], [sflag:$0x5] =	stream.linear.gather [spmem:s15], $0x4000, $0x38;
	[tilespmem:$0x1C200] =	vst v63  }
0xdd: {  	_ =	swait.ge [sflag:s30], $0x4000  }
0xde: {  	[sflag:s30] =	ssyncset.done $0x0  }
0xdf: {  	s19 =	rddreg [dreg:$0xd];
	[sflag:s30] =	ssyncadd.s32 $0xFFFFC000  }
0xe0: {  	[hbm4b:s19+s3] =	stream.linear.scatter [tilespmem:s29], [sflag:$0x5], $0x4000, $0x38;
	[tilespmem:$0x1C200] =	vst v63  }
0xe1: {  	_ =	swait.ge [sflag:s30], $0x4000  }
0xe2: {  	[sflag:s30] =	ssyncset.done $0x0  }
0xe3: {  	[sflag:s30] =	ssyncadd.s32 $0xFFFFC000  }
0xe4: {  	[tilespmem:s29], [sflag:$0x5] =	stream.linear.gather [spmem:s26], $0x4000, $0x38;
	[tilespmem:$0x1C200] =	vst v63  }
0xe5: {  	_ =	swait.ge [sflag:s30], $0x4000  }
0xe6: {  	[sflag:s30] =	ssyncset.done $0x0  }
0xe7: {  	s21 =	rddreg [dreg:$0xe];
	[sflag:s30] =	ssyncadd.s32 $0xFFFFC000  }
0xe8: {  	[hbm4b:s21+s3] =	stream.linear.scatter [tilespmem:s29], [sflag:$0x5], $0x4000, $0x38;
	[tilespmem:$0x1C200] =	vst v63  }
0xe9: {  	_ =	swait.ge [sflag:s30], $0x4000  }
0xea: {  	[sflag:s30] =	ssyncset.done $0x0  }
0xeb: {  	[sflag:s30] =	ssyncadd.s32 $0xFFFFC000  }
0xec: {  	[tilespmem:s29], [sflag:$0x5] =	stream.linear.gather [spmem:s28], $0x4000, $0x38;
	[tilespmem:$0x1C200] =	vst v63  }
0xed: {  	_ =	swait.ge [sflag:s30], $0x4000  }
0xee: {  	[sflag:s30] =	ssyncset.done $0x0  }
0xef: {  	s22 =	rddreg [dreg:$0xf];
	[sflag:s30] =	ssyncadd.s32 $0xFFFFC000  }
0xf0: {  	[hbm4b:s22+s3] =	stream.linear.scatter [tilespmem:s29], [sflag:$0x5], $0x4000, $0x38;
	[tilespmem:$0x1C200] =	vst v63  }
0xf1: {  	_ =	swait.ge [sflag:s30], $0x4000  }
0xf2: {  	s16 =	sadd.s32 $0x1, s16;
	s23 =	rddreg [dreg:$0x6]  }
0xf3: {  	p0 =	sne.s32 s16, s23  }
.Ltmp1:
0xf4: {  	_ = 	snop;
	(pc) =	sbr.rel @p0 .LBB2_1-.Ltmp1, $3  }
0xf5: {  	_ =	sdelay $0x1  }
0xf6: {  	[sflag:s30] =	ssyncset.done $0x0  }
0xf7: {  	[sflag:s30] =	ssyncadd.s32 $0xFFFFC000  }
0xf8: {  	_ =	sfence.sel $0x180000  }
0xf9: {  	[bflag:$0x0] =	sbarrier.arrive $0xFFFF  }
0xfa: {  	_ =	strace $0x9000004A  }
0xfb: {  	s0 =	stileid.u32;
	[bflag:$0x2] =	sbarrier.arrive $0xFFFF  }
0xfc: {  	p0 =	sne.s32 s0, $0x0;
	s0 =	rddreg [dreg:$0x2]  }
0xfd: {  	s0 =	sadd.s32 @!p0 $0x100000, s0  }
0xfe: {  	[sflag:s0] =	ssyncadd.tile.s32 @!p0 $0x1;
	_ =	shalt  }
.Lfunc_end2:
_tile_overlayer_lowered:
.L_overlay_start_2:
0xff: {  	(tag) =	ssettag $0x2  }
0x100: {  	s0 =	rddreg [dreg:$0x0];
	s2 =	stileid.u32  }
0x101: {  	s1 =	rddreg [dreg:$0x1];
	p0 =	sne.s32 s2, $0x0  }
0x102: {  	s3 =	rddreg [dreg:$0x2];
	[bflag:$0x3] =	sbarrier.arrive $0xFFFF;
	s2 =	simm.s32 @!p0 $0x1C05  }
0x103: {  	[timem:s3], [sflag:s2] =	dma.local @!p0 [hbm:s0], s1  }
0x104: {  	s0 =	simm.s32 @!p0 $0x5  }
0x105: {  	_ =	swait.ge @!p0 [sflag:s0], s1  }
0x106: {  	s1 =	ssub.s32 @!p0 $0x0, s1;
	[sflag:s0] =	ssyncset.done @!p0 $0x0  }
0x107: {  	[sflag:s0] =	ssyncadd.s32 @!p0 s1  }
0x108: {  	[bflag:$0x3] =	sbarrier.arrive $0xFFFF  }
0x109: {  	_ =	shalt  }

// kernel: kernel.14.cloned.1.call-start
scs
__scs_entry_jumppad:
0x0: {  	(pc) =	sbr.rel $0x88, $3  }
0x1: {  	(tag) =	ssettag $0x0;
	lr =	simm.s32 $0x1  }
0x2: {  	[smem:$0x3F98] =	sst lr;
	_ =	strace $0xD0000000  }
0x3: {  	_ = 	snop  }
0x4: {  	_ = 	snop  }
0x5: {  	_ = 	snop  }
0x6: {  	_ = 	snop  }
0x7: {  	_ = 	snop  }
__scs_overlays_trampoline_lowered:
0x8: {  	[smem:$0x3FA7] =	sst s0  }
0x9: {  	[smem:$0x3FA8] =	sst s1  }
0xa: {  	[smem:$0x3FA9] =	sst s2  }
0xb: {  	[smem:$0x3FAA] =	sst s3  }
0xc: {  	[smem:$0x3FAB] =	sst s4  }
0xd: {  	[smem:$0x3FAC] =	sst s5  }
0xe: {  	[smem:$0x3FAD] =	sst s6  }
0xf: {  	[smem:$0x3FAE] =	sst s7  }
0x10: {  	[smem:$0x3FAF] =	sst s8  }
0x11: {  	[smem:$0x3FB0] =	sst s9;
	s0 =	simm.s32 @!p0 $0x0  }
0x12: {  	s1 =	sld [smem:$0x3F96];
	s0 =	simm.s32 @p0 $0x1  }
0x13: {  	[smem:$0x3FB1] =	sst s0;
	s0 =	simm.s32 @!p1 $0x0  }
0x14: {  	s2 =	sld [smem:$0x3F95];
	s0 =	simm.s32 @p1 $0x1  }
0x15: {  	[smem:$0x3FB2] =	sst s0;
	s0 =	simm.s32 @!p2 $0x0  }
0x16: {  	s3 =	sld [smem:$0x3FDB];
	s0 =	simm.s32 @p2 $0x1  }
0x17: {  	s4 =	simm.s32 $0x1BF5;
	[smem:$0x3FB4] =	sst s0  }
0x18: {  	s0 =	sld [smem:$0x3F97];
	_ =	swait.ge [sflag:s4], $0x0  }
0x19: {  	s7 =	sld [smem:$0x3F98]  }
0x1a: {  	s8 =	sadd.s32 $0xFFFFE003, lr  }
0x1b: {  	s9 =	sadd.s32 $0xFFFFFEF7, lr;
	s5 =	simm.s32 $0xFFFFFFFF;
	p2 =	slt.u32 s8, $0xFFFFF086  }
0x1c: {  	p1 =	slt.u32 s9, $0xF7A;
	s5 =	simm.s32 @!p2 $0x0  }
0x1d: {  	s5 =	simm.s32 @p1 $0x1;
	p0 =	seq.s32 s7, s2  }
0x1e: {  	s7 =	smul.u32 @!p0 $0xF7A, s2;
	p2 =	seq.s32 @!p0 s5, $0x0  }
0x1f: {  	s9 =	smul.u32 $0xF7A, s1;
	s8 =	simm.s32 @!p0 $0x1BF5;
	p2 =	por !p2, p0  }
0x20: {  	[sflag:s8] =	ssyncset.s32 @!p0 $0xFFFFF086;
	s6 =	sadd.s32 @!p0 s3, s7;
	s7 =	simm.s32 @!p0 $0x108  }
0x21: {  	s3 =	sadd.s32 s3, s9;
	s6 =	sadd.s32 @!p0 $0x88, s6;
	s7 =	simm.s32 @p2 $0x1082  }
0x22: {  	[simem:s7], [sflag:s8] =	dma.local @!p0 [hbm:s6], $0xF7A  }
0x23: {  	s9 =	sor.u32 $0xD0000000, s2;
	s6 =	simm.s32 $0x108;
	_ =	swait.ge @!p0 [sflag:s8], $0x0  }
0x24: {  	s3 =	sadd.s32 $0x88, s3;
	s6 =	simm.s32 @!p1 $0x1082;
	[sflag:s4] =	ssyncset.s32 $0xFFFFF086  }
0x25: {  	[simem:s6], [sflag:s4] =	dma.local [hbm:s3], $0xF7A  }
0x26: {  	[smem:$0x3F98] =	sst s1;
	(tag) =	ssettag s2;
	_ =	strace s9  }
0x27: {  	s1 =	sld [smem:$0x3FA8]  }
0x28: {  	s2 =	sld [smem:$0x3FA9]  }
0x29: {  	s4 =	sld [smem:$0x3FAB]  }
0x2a: {  	p0 =	seq.s32 s5, $0x0;
	s5 =	sld [smem:$0x3FAC]  }
0x2b: {  	s6 =	sld [smem:$0x3FAD]  }
0x2c: {  	s7 =	sld [smem:$0x3FAE]  }
0x2d: {  	s3 =	simm.s32 $0x108;
	s8 =	sld [smem:$0x3FAF]  }
0x2e: {  	s3 =	simm.s32 @!p0 $0x1082;
	s9 =	sld [smem:$0x3FB0]  }
0x2f: {  	lr =	sadd.s32 s0, s3;
	s0 =	sld [smem:$0x3FA7]  }
0x30: {  	s3 =	sld [smem:$0x3FAA]  }
0x31: {  	[smem:$0x3FB3] =	sst s10  }
0x32: {  	s10 =	sld [smem:$0x3FB1];
	_ =	sdelay $0x3  }
0x33: {  	p0 =	seq.s32 s10, $0x1;
	s10 =	sld [smem:$0x3FB3];
	_ =	sdelay $0x3  }
0x34: {  	[smem:$0x3FB3] =	sst s10  }
0x35: {  	s10 =	sld [smem:$0x3FB2];
	_ =	sdelay $0x3  }
0x36: {  	p1 =	seq.s32 s10, $0x1;
	s10 =	sld [smem:$0x3FB3];
	_ =	sdelay $0x3  }
0x37: {  	[smem:$0x3FB3] =	sst s10  }
0x38: {  	s10 =	sld [smem:$0x3FB4]  }
0x39: {  	_ = 	snop;
	(pc) =	sbr.ind lr, $3  }
0x3a: {  	_ = 	snop  }
0x3b: {  	_ = 	snop  }
0x3c: {  	p2 =	seq.s32 s10, $0x1;
	s10 =	sld [smem:$0x3FB3]  }
0x3d: {  	_ =	shalt  }
0x3e: {  	_ =	shalt  }
0x3f: {  	_ =	shalt  }
0x40: {  	_ =	shalt  }
0x41: {  	_ =	shalt  }
0x42: {  	_ =	shalt  }
0x43: {  	_ =	shalt  }
0x44: {  	_ =	shalt  }
0x45: {  	_ =	shalt  }
0x46: {  	_ =	shalt  }
0x47: {  	_ =	shalt  }
0x48: {  	_ =	shalt  }
0x49: {  	_ =	shalt  }
0x4a: {  	_ =	shalt  }
0x4b: {  	_ =	shalt  }
0x4c: {  	_ =	shalt  }
0x4d: {  	_ =	shalt  }
0x4e: {  	_ =	shalt  }
0x4f: {  	_ =	shalt  }
0x50: {  	_ =	shalt  }
0x51: {  	_ =	shalt  }
0x52: {  	_ =	shalt  }
0x53: {  	_ =	shalt  }
0x54: {  	_ =	shalt  }
0x55: {  	_ =	shalt  }
0x56: {  	_ =	shalt  }
0x57: {  	_ =	shalt  }
0x58: {  	_ =	shalt  }
0x59: {  	_ =	shalt  }
0x5a: {  	_ =	shalt  }
0x5b: {  	_ =	shalt  }
0x5c: {  	_ =	shalt  }
0x5d: {  	_ =	shalt  }
0x5e: {  	_ =	shalt  }
0x5f: {  	_ =	shalt  }
0x60: {  	_ =	shalt  }
0x61: {  	_ =	shalt  }
0x62: {  	_ =	shalt  }
0x63: {  	_ =	shalt  }
0x64: {  	_ =	shalt  }
0x65: {  	_ =	shalt  }
0x66: {  	_ =	shalt  }
0x67: {  	_ =	shalt  }
0x68: {  	_ =	shalt  }
0x69: {  	_ =	shalt  }
0x6a: {  	_ =	shalt  }
0x6b: {  	_ =	shalt  }
0x6c: {  	_ =	shalt  }
0x6d: {  	_ =	shalt  }
0x6e: {  	_ =	shalt  }
0x6f: {  	_ =	shalt  }
0x70: {  	_ =	shalt  }
0x71: {  	_ =	shalt  }
0x72: {  	_ =	shalt  }
0x73: {  	_ =	shalt  }
0x74: {  	_ =	shalt  }
0x75: {  	_ =	shalt  }
0x76: {  	_ =	shalt  }
0x77: {  	_ =	shalt  }
0x78: {  	_ =	shalt  }
0x79: {  	_ =	shalt  }
0x7a: {  	_ =	shalt  }
0x7b: {  	_ =	shalt  }
0x7c: {  	_ =	shalt  }
0x7d: {  	_ =	shalt  }
0x7e: {  	_ =	shalt  }
0x7f: {  	_ =	shalt  }
0x80: {  	_ =	shalt  }
0x81: {  	_ =	shalt  }
0x82: {  	_ =	shalt  }
0x83: {  	_ =	shalt  }
0x84: {  	_ =	shalt  }
0x85: {  	_ =	shalt  }
0x86: {  	_ =	shalt  }
0x87: {  	_ =	shalt  }
.Lfunc_end0:
.L_simem_size_0:
called_computation.2_lowered:
.L_overlay_start_0:
0x88: {  	s2 =	sld [smem:$0x3FD9]  }
0x89: {  	s3 =	sld [smem:$0x3FFE];
	_ =	sdelay $0x1  }
0x8a: {  	s1 =	srdreg.scid  }
0x8b: {  	s0 =	sand.u32 $0x1, s1  }
0x8c: {  	s16 =	sshll.u32 s0, $0xA;
	s2 =	sadd.s32 s3, s2  }
0x8d: {  	s2 =	sadd.s32 s2, s16  }
0x8e: {  	[smem:$0x3FBF] =	sst s2  }
0x8f: {  	_ = 	snop  }
0x90: {  	(tm) =	ssettm $0x1  }
0x91: {  	s17 =	sld [smem:$0x3FFB];
	_ =	sdelay $0x3  }
0x92: {  	_ =	strace s17  }
0x93: {  	s2 =	sld [smem:$0x3FFC];
	_ =	sdelay $0x3  }
0x94: {  	_ =	strace s2  }
0x95: {  	s2 =	sld [smem:$0x3FFD];
	_ =	sdelay $0x3  }
0x96: {  	_ =	strace s2  }
0x97: {  	_ =	strace $0x8FFFFFFF  }
0x98: {  	s18 =	sld [smem:$0x3FDB];
	_ =	sdelay $0x1  }
0x99: {  	s19 =	simm.s32 $_scs_section_size  }
0x9a: {  	s4 =	simm.s32 $_size__tile_overlayer_lowered;
	s5 =	simm.s32 $_tile_overlayer_lowered  }
0x9b: {  	s22 =	simm.s32 $0x1BFF;
	s21 =	sshll.u32 s5, $0x1;
	s2 =	sadd.s32 s19, s18  }
0x9c: {  	s6 =	simm.s32 $0x0;
	s20 =	sshll.u32 s4, $0x1;
	s4 =	sadd.s32 s21, s2  }
0x9d: {  	[timem:s6], [sflag:s22] =	dma.local [hbm:s4], s20  }
0x9e: {  	_ =	swait.ge [sflag:s22], s20  }
0x9f: {  	s3 =	ssub.s32 $0x0, s20;
	[sflag:s22] =	ssyncset.done $0x0  }
0xa0: {  	[sflag:s22] =	ssyncadd.s32 s3;
	_ =	sdelay $0x1  }
0xa1: {  	s23 =	simm.s32 $0x1B8B  }
0xa2: {  	_ =	swait.ge [sflag:s23], $0x1  }
0xa3: {  	[sflag:s23] =	ssyncset.done $0x0  }
0xa4: {  	s25 =	simm.s32 $0x1B8E;
	s24 =	sld [smem:$0x3FFE];
	[sflag:s23] =	ssyncadd.s32 $0xFFFFFFFF  }
0xa5: {  	s26 =	simm.s32 $execute0_lowered;
	[smem:$0x3FD2] =	sst s25  }
0xa6: {  	s4 =	sshll.u32 s26, $0x1;
	_ =	strace $0x8000004C;
	[dreg:$0x1] =	wrdreg $0xFFFFFFFF  }
0xa7: {  	s28 =	simm.s32 $_size_execute0_lowered;
	s2 =	sadd.s32 s2, s4;
	[dreg:$0x0] =	wrdreg $0x0  }
0xa8: {  	s4 =	sshll.u32 s28, $0x1;
	[dreg:$0x2] =	wrdreg s2  }
0xa9: {  	[dreg:$0x3] =	wrdreg s4  }
0xaa: {  	[dreg:$0x4] =	wrdreg $0xC0  }
0xab: {  	_ =	task [dreg:s6], $0x5FFFF  }
0xac: {  	[dreg:$0x1] =	wrdreg $0xFFFFFFFF  }
0xad: {  	[dreg:$0x0] =	wrdreg $0x60  }
0xae: {  	[dreg:$0x2] =	wrdreg s24  }
0xaf: {  	[dreg:$0x3] =	wrdreg $0x0  }
0xb0: {  	[dreg:$0x4] =	wrdreg $0x9  }
0xb1: {  	_ =	task.clear_ibuf [dreg:s6], $0x5FFFF;
	_ =	strace $0x9000004C  }
0xb2: {  	s29 =	simm.s32 $0x9;
	_ =	strace $0x8000004E  }
0xb3: {  	_ =	swait.ge [sflag:s29], $0x1  }
0xb4: {  	[sflag:s29] =	ssyncadd.s32 $0xFFFFFFFF  }
0xb5: {  	_ =	strace $0x9000004E  }
0xb6: {  	_ =	sfence  }
0xb7: {  	s30 =	sld [smem:$0x0];
	_ =	sdelay $0x2  }
0xb8: {  	s31 =	sshll.u32 s1, $0xD;
	s1 =	sshrl.u32 s1, $0x2  }
0xb9: {  	s3 =	sand.u32 $0x4000, s31;
	s1 =	sadd.s32 s1, s30  }
0xba: {  	s0 =	sor.u32 s3, s0;
	s1 =	sshll.u32 s1, $0x11  }
0xbb: {  	s0 =	sor.u32 s1, s0  }
0xbc: {  	s0 =	sadd.s32 $0x8F2B, s0  }
0xbd: {  	[sflag:s0] =	ssyncadd.remote.s32 $0x1  }
0xbe: {  	_ =	sfence.sel $0xFFFF  }
0xbf: {  	[dreg:$0x0] =	wrdreg $0xFFFFFFFF;
	(pc) =	sbr.abs _section_cstart, $3  }
0xc0: {  	[dreg:$0x1] =	wrdreg $0xFFFFFFFF  }
0xc1: {  	_ =	task.clear_ibuf [dreg:s6], $0x2FFFF;
	_ =	strace $0x9FFFFFFF  }
0xc2: {  	(tm) =	ssettm $0x7FFFFFFF  }
0xc3: {  	_ =	shalt  }
tec
execute0_lowered:
.L_overlay_start_1:
0x0: {  	(tag) =	ssettag $0x1  }
0x1: {  	s0 =	rddreg [dreg:$0x0]  }
0x2: {  	s1 =	rddreg [dreg:$0x1]  }
0x3: {  	s3 =	simm.s32 $0x0;
	s2 =	srdreg.scid;
	s12 =	stileid.u32  }
0x4: {  	s29 =	simm.s32 $0x14200;
	s30 =	simm.s32 $0x5;
	s6 =	smul.u32 $0x4E80, s12  }
0x5: {  	s31 =	simm.s32 $0x14000;
	[smem:$0x7FF] =	sst s3;
	s21 =	smul.u32 $0x280, s12  }
0x6: {  	s2 =	sand.u32 $0x1, s2;
	s4 =	sadd.s32 $0x2A000, s0;
	s22 =	smul.u32 $0x50000, s12  }
0x7: {  	s5 =	sadd.s32 $0x16400, s0;
	s8 =	sadd.s32 $0x2600, s0;
	s12 =	smul.u32 $0x9D0, s12  }
0x8: {  	s0 =	sadd.s32 $0x7A000, s0;
	s7 =	smul.u32 $0x4E800, s2;
	s9 =	ssub.s32 $0x2, s2  }
0x9: {  	_ =	strace $0x8000004D;
	s2 =	smul.u32 $0x2800, s2;
	s10 =	sshrl.u32 s9, $0x1  }
0xa: {  	s24 =	sshrl.u32 s22, $0x2;
	s20 =	sadd.s32 s12, s8;
	s12 =	simm.s32 $0x3  }
0xb: {  	s7 =	sadd.s32 s6, s7;
	s10 =	ssub.s32 s9, s10;
	s6 =	sshrl.u32 s6, $0x3  }
0xc: {  	s2 =	sadd.s32 s2, s21;
	s9 =	sadd.s32 s24, s1;
	s11 =	sshrl.u32 s7, $0x3  }
0xd: {  	s6 =	sadd.s32 s8, s6;
	s2 =	sshll.u32 s2, $0x4;
	s25 =	smax.u32 s10, $0x1  }
0xe: {  	s13 =	sadd.s32 s5, s11;
	s6 =	sadd.s32 $0x9C0, s6;
	[dreg:$0x6] =	wrdreg s25  }
0xf: {  	s26 =	sadd.s32 $0x800, s2;
	s14 =	sadd.s32 s4, s2;
	[dreg:$0x3] =	wrdreg s13  }
0x10: {  	s16 =	sadd.s32 $0x1000, s2;
	s18 =	sadd.s32 $0x1800, s2;
	[dreg:$0x5] =	wrdreg s6  }
0x11: {  	s19 =	sadd.s32 $0x2000, s2;
	s2 =	sadd.s32 s0, s2;
	[dreg:$0x7] =	wrdreg s14  }
0x12: {  	s28 =	sadd.s32 $0x10000, s9;
	s23 =	sadd.s32 $0x10, s13;
	[dreg:$0xb] =	wrdreg s2  }
0x13: {  	s8 =	simm.s32 $0x1;
	s15 =	sadd.s32 s4, s26;
	[dreg:$0x4] =	wrdreg s23  }
0x14: {  	s10 =	simm.s32 $0x14180;
	s17 =	sadd.s32 s4, s16;
	[dreg:$0x8] =	wrdreg s15  }
0x15: {  	s11 =	simm.s32 $0x2;
	s14 =	sadd.s32 s4, s18;
	[dreg:$0x9] =	wrdreg s17  }
0x16: {  	s13 =	sadd.s32 $0x4000, s9;
	s21 =	sadd.s32 s0, s26;
	[dreg:$0xa] =	wrdreg s14  }
0x17: {  	s22 =	sadd.s32 s0, s16;
	s24 =	sadd.s32 s0, s18;
	[dreg:$0xc] =	wrdreg s21  }
0x18: {  	s0 =	sadd.s32 s0, s19;
	s26 =	sadd.s32 s4, s19;
	[dreg:$0xd] =	wrdreg s22  }
0x19: {  	s2 =	simm.s32 $0x14080;
	s6 =	simm.s32 $0x18200;
	[dreg:$0xe] =	wrdreg s24  }
0x1a: {  	s16 =	simm.s32 $0x0;
	s15 =	sadd.s32 $0x8000, s9;
	[dreg:$0xf] =	wrdreg s0  }
0x1b: {  	s23 =	sadd.s32 $0x180, s7;
	[dreg:$0x10] =	wrdreg s26;
	s26 =	sadd.s32 $0xC000, s9  }
0x1c: {  	s0 =	simm.s32 $0x80;
	s14 =	simm.s32 $0x4;
	s25 =	sshrl.u32 s23, $0x3  }
0x1d: {  	s24 =	sadd.s32 s25, s5;
	s25 =	sadd.s32 $0x100, s7;
	s7 =	simm.s32 $0x14100  }
.LBB2_1:
0x1e: {  	s17 =	rddreg [dreg:$0x7]  }
0x1f: {  	[tilespmem:s29], [sflag:$0x5] =	stream.linear.gather [hbm4b:s17+s3], $0x4000, $0x38;
	[tilespmem:$0x1C200] =	vst v63  }
0x20: {  	_ =	swait.ge [sflag:s30], $0x4000  }
0x21: {  	[sflag:s30] =	ssyncset.done $0x0  }
0x22: {  	[sflag:s30] =	ssyncadd.s32 $0xFFFFC000  }
0x23: {  	[spmem:s9] =	stream.linear.scatter [tilespmem:s29], [sflag:$0x5], $0x4000, $0x38;
	[tilespmem:$0x1C200] =	vst v63  }
0x24: {  	_ =	swait.ge [sflag:s30], $0x4000  }
0x25: {  	[sflag:s30] =	ssyncset.done $0x0  }
0x26: {  	s21 =	rddreg [dreg:$0x8];
	[sflag:s30] =	ssyncadd.s32 $0xFFFFC000  }
0x27: {  	[tilespmem:s29], [sflag:$0x5] =	stream.linear.gather [hbm4b:s21+s3], $0x4000, $0x38;
	[tilespmem:$0x1C200] =	vst v63  }
0x28: {  	_ =	swait.ge [sflag:s30], $0x4000  }
0x29: {  	[sflag:s30] =	ssyncset.done $0x0  }
0x2a: {  	[sflag:s30] =	ssyncadd.s32 $0xFFFFC000  }
0x2b: {  	[spmem:s13] =	stream.linear.scatter [tilespmem:s29], [sflag:$0x5], $0x4000, $0x38;
	[tilespmem:$0x1C200] =	vst v63  }
0x2c: {  	_ =	swait.ge [sflag:s30], $0x4000  }
0x2d: {  	[sflag:s30] =	ssyncset.done $0x0  }
0x2e: {  	s22 =	rddreg [dreg:$0x9];
	[sflag:s30] =	ssyncadd.s32 $0xFFFFC000  }
0x2f: {  	[tilespmem:s29], [sflag:$0x5] =	stream.linear.gather [hbm4b:s22+s3], $0x4000, $0x38;
	[tilespmem:$0x1C200] =	vst v63  }
0x30: {  	_ =	swait.ge [sflag:s30], $0x4000  }
0x31: {  	[sflag:s30] =	ssyncset.done $0x0  }
0x32: {  	[sflag:s30] =	ssyncadd.s32 $0xFFFFC000  }
0x33: {  	[spmem:s15] =	stream.linear.scatter [tilespmem:s29], [sflag:$0x5], $0x4000, $0x38;
	[tilespmem:$0x1C200] =	vst v63  }
0x34: {  	_ =	swait.ge [sflag:s30], $0x4000  }
0x35: {  	[sflag:s30] =	ssyncset.done $0x0  }
0x36: {  	s23 =	rddreg [dreg:$0xa];
	[sflag:s30] =	ssyncadd.s32 $0xFFFFC000  }
0x37: {  	[tilespmem:s29], [sflag:$0x5] =	stream.linear.gather [hbm4b:s23+s3], $0x4000, $0x38;
	[tilespmem:$0x1C200] =	vst v63  }
0x38: {  	_ =	swait.ge [sflag:s30], $0x4000  }
0x39: {  	[sflag:s30] =	ssyncset.done $0x0  }
0x3a: {  	[sflag:s30] =	ssyncadd.s32 $0xFFFFC000  }
0x3b: {  	[spmem:s26] =	stream.linear.scatter [tilespmem:s29], [sflag:$0x5], $0x4000, $0x38;
	[tilespmem:$0x1C200] =	vst v63  }
0x3c: {  	_ =	swait.ge [sflag:s30], $0x4000  }
0x3d: {  	[sflag:s30] =	ssyncset.done $0x0  }
0x3e: {  	s18 =	rddreg [dreg:$0x10];
	[sflag:s30] =	ssyncadd.s32 $0xFFFFC000  }
0x3f: {  	[tilespmem:s29], [sflag:$0x5] =	stream.linear.gather [hbm4b:s18+s3], $0x4000, $0x38;
	[tilespmem:$0x1C200] =	vst v63  }
0x40: {  	_ =	swait.ge [sflag:s30], $0x4000  }
0x41: {  	[sflag:s30] =	ssyncset.done $0x0  }
0x42: {  	[sflag:s30] =	ssyncadd.s32 $0xFFFFC000  }
0x43: {  	[spmem:s28] =	stream.linear.scatter [tilespmem:s29], [sflag:$0x5], $0x4000, $0x38;
	[tilespmem:$0x1C200] =	vst v63  }
0x44: {  	_ =	swait.ge [sflag:s30], $0x4000  }
0x45: {  	[sflag:s30] =	ssyncset.done $0x0  }
0x46: {  	[sflag:s30] =	ssyncadd.s32 $0xFFFFC000  }
0x47: {  	[bflag:$0x0] =	sbarrier.arrive $0xFFFF  }
0x48: {  	s19 =	rddreg [dreg:$0x3]  }
0x49: {  	[tilespmem:s31], [sflag:$0x5] =	stream.linear.gather [hbm4b:s19+s3], $0x80, $0x38;
	[tilespmem:$0x1C200] =	vst v63  }
0x4a: {  	_ =	swait.ge [sflag:s30], $0x80  }
0x4b: {  	[sflag:s30] =	ssyncset.done $0x0  }
0x4c: {  	[sflag:s30] =	ssyncadd.s32 $0xFFFFFF80  }
0x4d: {  	[tilespmem:s29], [sflag:$0x1] =	stream.indirect.gather [hbm4b:s4+s0], $0x80, s31, s0, $0xb8;
	[tilespmem:$0x1C200] =	vst v63  }
0x4e: {  	s21 =	rddreg [dreg:$0x4]  }
0x4f: {  	[tilespmem:s2], [sflag:$0x5] =	stream.linear.gather [hbm4b:s21+s3], $0x80, $0x38;
	[tilespmem:$0x1C200] =	vst v63  }
0x50: {  	_ =	swait.ge [sflag:s30], $0x80  }
0x51: {  	[sflag:s30] =	ssyncset.done $0x0  }
0x52: {  	s22 =	sadd.s32 $0x0, s20;
	[sflag:s30] =	ssyncadd.s32 $0xFFFFFF80  }
0x53: {  	[tilespmem:s7], [sflag:$0x5] =	stream.linear.gather [hbm4b:s22+s3], $0x80, $0x38;
	[tilespmem:$0x1C200] =	vst v63  }
0x54: {  	_ =	swait.ge [sflag:s30], $0x80  }
0x55: {  	[sflag:s30] =	ssyncset.done $0x0  }
0x56: {  	[sflag:s30] =	ssyncadd.s32 $0xFFFFFF80  }
0x57: {  	_ =	swait.ge [sflag:s8], $0x4000  }
0x58: {  	[sflag:s8] =	ssyncset.done $0x0  }
0x59: {  	s18 =	sshrl.u32 s25, $0x3;
	[sflag:s8] =	ssyncadd.s32 $0xFFFFC000  }
0x5a: {  	[tilespmem:s6], [sflag:$0x2] =	stream.indirect.gather [hbm4b:s4+s0], $0x80, s2, s0, $0xb8;
	[tilespmem:$0x1C200] =	vst v63  }
0x5b: {  	s18 =	sadd.s32 s5, s18  }
0x5c: {  	[tilespmem:s31], [sflag:$0x3] =	stream.linear.gather [hbm4b:s18+s3], $0x80, $0x38;
	[tilespmem:$0x1C200] =	vst v63  }
0x5d: {  	_ = 	snop  }
0x5e: {  	[spmem:s1] =	stream.indirect.scatter.add.f32 [tilespmem:s29], [sflag:$0x5], $0x80, s7, s0, $0xb8;
	[tilespmem:$0x1C200] =	vst v63  }
0x5f: {  	_ =	swait.ge [sflag:s30], $0x4000  }
0x60: {  	[sflag:s30] =	ssyncset.done $0x0  }
0x61: {  	s17 =	sadd.s32 $0x10, s22;
	[sflag:s30] =	ssyncadd.s32 $0xFFFFC000  }
0x62: {  	[tilespmem:s10], [sflag:$0x5] =	stream.linear.gather [hbm4b:s17+s3], $0x80, $0x38;
	[tilespmem:$0x1C200] =	vst v63  }
0x63: {  	_ =	swait.ge [sflag:s30], $0x80  }
0x64: {  	[sflag:s30] =	ssyncset.done $0x0  }
0x65: {  	[sflag:s30] =	ssyncadd.s32 $0xFFFFFF80  }
0x66: {  	_ =	swait.ge [sflag:s11], $0x4000  }
0x67: {  	[sflag:s11] =	ssyncset.done $0x0  }
0x68: {  	[sflag:s11] =	ssyncadd.s32 $0xFFFFC000  }
0x69: {  	_ =	swait.ge [sflag:s12], $0x80  }
0x6a: {  	[sflag:s12] =	ssyncset.done $0x0  }
0x6b: {  	[sflag:s12] =	ssyncadd.s32 $0xFFFFFF80  }
0x6c: {  	[tilespmem:s29], [sflag:$0x1] =	stream.indirect.gather [hbm4b:s4+s0], $0x80, s31, s0, $0xb8;
	[tilespmem:$0x1C200] =	vst v63  }
0x6d: {  	s23 =	sadd.s32 $0x0, s24  }
0x6e: {  	[tilespmem:s2], [sflag:$0x4] =	stream.linear.gather [hbm4b:s23+s3], $0x80, $0x38;
	[tilespmem:$0x1C200] =	vst v63  }
0x6f: {  	_ = 	snop  }
0x70: {  	[spmem:s1] =	stream.indirect.scatter.add.f32 [tilespmem:s6], [sflag:$0x5], $0x80, s10, s0, $0xb8;
	[tilespmem:$0x1C200] =	vst v63  }
0x71: {  	_ =	swait.ge [sflag:s30], $0x4000  }
0x72: {  	[sflag:s30] =	ssyncset.done $0x0  }
0x73: {  	[sflag:s30] =	ssyncadd.s32 $0xFFFFC000  }
0x74: {  	s19 =	simm.s32 $0x40;
	_ =	swait.ge [sflag:s14], $0x80  }
0x75: {  	s18 =	sadd.s32 $0x100, s25;
	s17 =	simm.s32 $0x20;
	[sflag:s14] =	ssyncset.done $0x0  }
.LBB2_2:
0x76: {  	s22 =	sadd.s32 s17, s20  }
0x77: {  	[sflag:s14] =	ssyncadd.s32 $0xFFFFFF80;
	s23 =	smov.u32 s19;
	s21 =	sadd.s32 $0x20, s19  }
0x78: {  	[tilespmem:s7], [sflag:$0x5] =	stream.linear.gather [hbm4b:s22+s3], $0x80, $0x38;
	[tilespmem:$0x1C200] =	vst v63  }
0x79: {  	p0 =	sne.s32 s19, $0x9A0;
	_ =	swait.ge [sflag:s30], $0x80  }
0x7a: {  	[sflag:s30] =	ssyncset.done $0x0  }
0x7b: {  	[sflag:s30] =	ssyncadd.s32 $0xFFFFFF80  }
0x7c: {  	_ =	swait.ge [sflag:s8], $0x4000  }
0x7d: {  	[sflag:s8] =	ssyncset.done $0x0  }
0x7e: {  	s19 =	sshrl.u32 s18, $0x3;
	[sflag:s8] =	ssyncadd.s32 $0xFFFFC000  }
0x7f: {  	[tilespmem:s6], [sflag:$0x2] =	stream.indirect.gather [hbm4b:s4+s0], $0x80, s2, s0, $0xb8;
	[tilespmem:$0x1C200] =	vst v63  }
0x80: {  	s19 =	sadd.s32 s5, s19  }
0x81: {  	[tilespmem:s31], [sflag:$0x3] =	stream.linear.gather [hbm4b:s19+s3], $0x80, $0x38;
	[tilespmem:$0x1C200] =	vst v63  }
0x82: {  	_ = 	snop  }
0x83: {  	[spmem:s1] =	stream.indirect.scatter.add.f32 [tilespmem:s29], [sflag:$0x5], $0x80, s7, s0, $0xb8;
	[tilespmem:$0x1C200] =	vst v63  }
0x84: {  	_ =	swait.ge [sflag:s30], $0x4000  }
0x85: {  	[sflag:s30] =	ssyncset.done $0x0  }
0x86: {  	s19 =	sadd.s32 $0x10, s22;
	[sflag:s30] =	ssyncadd.s32 $0xFFFFC000  }
0x87: {  	[tilespmem:s10], [sflag:$0x5] =	stream.linear.gather [hbm4b:s19+s3], $0x80, $0x38;
	[tilespmem:$0x1C200] =	vst v63  }
0x88: {  	_ =	swait.ge [sflag:s30], $0x80  }
0x89: {  	[sflag:s30] =	ssyncset.done $0x0  }
0x8a: {  	[sflag:s30] =	ssyncadd.s32 $0xFFFFFF80  }
0x8b: {  	_ =	swait.ge [sflag:s11], $0x4000  }
0x8c: {  	[sflag:s11] =	ssyncset.done $0x0  }
0x8d: {  	[sflag:s11] =	ssyncadd.s32 $0xFFFFC000  }
0x8e: {  	_ =	swait.ge [sflag:s12], $0x80  }
0x8f: {  	[sflag:s12] =	ssyncset.done $0x0  }
0x90: {  	[sflag:s12] =	ssyncadd.s32 $0xFFFFFF80  }
0x91: {  	[tilespmem:s29], [sflag:$0x1] =	stream.indirect.gather [hbm4b:s4+s0], $0x80, s31, s0, $0xb8;
	[tilespmem:$0x1C200] =	vst v63  }
0x92: {  	s19 =	sadd.s32 s17, s24;
	s17 =	smov.u32 s23  }
0x93: {  	[tilespmem:s2], [sflag:$0x4] =	stream.linear.gather [hbm4b:s19+s3], $0x80, $0x38;
	[tilespmem:$0x1C200] =	vst v63  }
0x94: {  	_ = 	snop  }
0x95: {  	[spmem:s1] =	stream.indirect.scatter.add.f32 [tilespmem:s6], [sflag:$0x5], $0x80, s10, s0, $0xb8;
	[tilespmem:$0x1C200] =	vst v63  }
.Ltmp0:
0x96: {  	_ =	swait.ge [sflag:s30], $0x4000;
	(pc) =	sbr.rel @p0 .LBB2_2-.Ltmp0, $4  }
0x97: {  	[sflag:s30] =	ssyncset.done $0x0  }
0x98: {  	[sflag:s30] =	ssyncadd.s32 $0xFFFFC000  }
0x99: {  	_ =	swait.ge [sflag:s14], $0x80  }
0x9a: {  	s18 =	sadd.s32 $0x100, s18;
	s19 =	smov.u32 s21;
	[sflag:s14] =	ssyncset.done $0x0  }
0x9b: {  	s19 =	sadd.s32 s17, s20;
	[sflag:s14] =	ssyncadd.s32 $0xFFFFFF80  }
0x9c: {  	[tilespmem:s7], [sflag:$0x5] =	stream.linear.gather [hbm4b:s19+s3], $0x80, $0x38;
	[tilespmem:$0x1C200] =	vst v63  }
0x9d: {  	_ =	swait.ge [sflag:s30], $0x80  }
0x9e: {  	[sflag:s30] =	ssyncset.done $0x0  }
0x9f: {  	[sflag:s30] =	ssyncadd.s32 $0xFFFFFF80  }
0xa0: {  	_ =	swait.ge [sflag:s8], $0x4000  }
0xa1: {  	[sflag:s8] =	ssyncset.done $0x0  }
0xa2: {  	s18 =	sshrl.u32 s18, $0x3;
	[sflag:s8] =	ssyncadd.s32 $0xFFFFC000  }
0xa3: {  	[tilespmem:s6], [sflag:$0x2] =	stream.indirect.gather [hbm4b:s4+s0], $0x80, s2, s0, $0xb8;
	[tilespmem:$0x1C200] =	vst v63  }
0xa4: {  	s18 =	sadd.s32 s5, s18  }
0xa5: {  	[tilespmem:s31], [sflag:$0x3] =	stream.linear.gather [hbm4b:s18+s3], $0x80, $0x38;
	[tilespmem:$0x1C200] =	vst v63  }
0xa6: {  	_ = 	snop  }
0xa7: {  	[spmem:s1] =	stream.indirect.scatter.add.f32 [tilespmem:s29], [sflag:$0x5], $0x80, s7, s0, $0xb8;
	[tilespmem:$0x1C200] =	vst v63  }
0xa8: {  	_ =	swait.ge [sflag:s30], $0x4000  }
0xa9: {  	[sflag:s30] =	ssyncset.done $0x0  }
0xaa: {  	s19 =	sadd.s32 $0x10, s19;
	[sflag:s30] =	ssyncadd.s32 $0xFFFFC000  }
0xab: {  	[tilespmem:s10], [sflag:$0x5] =	stream.linear.gather [hbm4b:s19+s3], $0x80, $0x38;
	[tilespmem:$0x1C200] =	vst v63  }
0xac: {  	_ =	swait.ge [sflag:s30], $0x80  }
0xad: {  	[sflag:s30] =	ssyncset.done $0x0  }
0xae: {  	[sflag:s30] =	ssyncadd.s32 $0xFFFFFF80  }
0xaf: {  	_ =	swait.ge [sflag:s11], $0x4000  }
0xb0: {  	[sflag:s11] =	ssyncset.done $0x0  }
0xb1: {  	[sflag:s11] =	ssyncadd.s32 $0xFFFFC000  }
0xb2: {  	_ =	swait.ge [sflag:s12], $0x80  }
0xb3: {  	[sflag:s12] =	ssyncset.done $0x0  }
0xb4: {  	[sflag:s12] =	ssyncadd.s32 $0xFFFFFF80  }
0xb5: {  	[tilespmem:s29], [sflag:$0x1] =	stream.indirect.gather [hbm4b:s4+s0], $0x80, s31, s0, $0xb8;
	[tilespmem:$0x1C200] =	vst v63  }
0xb6: {  	s21 =	sadd.s32 s17, s24  }
0xb7: {  	[tilespmem:s2], [sflag:$0x4] =	stream.linear.gather [hbm4b:s21+s3], $0x80, $0x38;
	[tilespmem:$0x1C200] =	vst v63  }
0xb8: {  	_ = 	snop  }
0xb9: {  	[spmem:s1] =	stream.indirect.scatter.add.f32 [tilespmem:s6], [sflag:$0x5], $0x80, s10, s0, $0xb8;
	[tilespmem:$0x1C200] =	vst v63  }
0xba: {  	_ =	swait.ge [sflag:s30], $0x4000  }
0xbb: {  	[sflag:s30] =	ssyncset.done $0x0  }
0xbc: {  	[sflag:s30] =	ssyncadd.s32 $0xFFFFC000  }
0xbd: {  	_ =	swait.ge [sflag:s14], $0x80  }
0xbe: {  	[sflag:s14] =	ssyncset.done $0x0  }
0xbf: {  	s22 =	rddreg [dreg:$0x5];
	[sflag:s14] =	ssyncadd.s32 $0xFFFFFF80  }
0xc0: {  	[tilespmem:s7], [sflag:$0x5] =	stream.linear.gather [hbm4b:s22+s3], $0x80, $0x38;
	[tilespmem:$0x1C200] =	vst v63  }
0xc1: {  	_ =	swait.ge [sflag:s30], $0x80  }
0xc2: {  	[sflag:s30] =	ssyncset.done $0x0  }
0xc3: {  	[sflag:s30] =	ssyncadd.s32 $0xFFFFFF80  }
0xc4: {  	_ =	swait.ge [sflag:s8], $0x4000  }
0xc5: {  	[sflag:s8] =	ssyncset.done $0x0  }
0xc6: {  	[sflag:s8] =	ssyncadd.s32 $0xFFFFC000  }
0xc7: {  	[spmem:s1] =	stream.indirect.scatter.add.f32 [tilespmem:s29], [sflag:$0x5], $0x80, s7, s0, $0xb8;
	[tilespmem:$0x1C200] =	vst v63  }
0xc8: {  	_ =	swait.ge [sflag:s30], $0x4000  }
0xc9: {  	[sflag:s30] =	ssyncset.done $0x0  }
0xca: {  	[sflag:s30] =	ssyncadd.s32 $0xFFFFC000  }
0xcb: {  	[bflag:$0x0] =	sbarrier.arrive $0xFFFF  }
0xcc: {  	[tilespmem:s29], [sflag:$0x5] =	stream.linear.gather [spmem:s9], $0x4000, $0x38;
	[tilespmem:$0x1C200] =	vst v63  }
0xcd: {  	_ =	swait.ge [sflag:s30], $0x4000  }
0xce: {  	[sflag:s30] =	ssyncset.done $0x0  }
0xcf: {  	s23 =	rddreg [dreg:$0xb];
	[sflag:s30] =	ssyncadd.s32 $0xFFFFC000  }
0xd0: {  	[hbm4b:s23+s3] =	stream.linear.scatter [tilespmem:s29], [sflag:$0x5], $0x4000, $0x38;
	[tilespmem:$0x1C200] =	vst v63  }
0xd1: {  	_ =	swait.ge [sflag:s30], $0x4000  }
0xd2: {  	[sflag:s30] =	ssyncset.done $0x0  }
0xd3: {  	[sflag:s30] =	ssyncadd.s32 $0xFFFFC000  }
0xd4: {  	[tilespmem:s29], [sflag:$0x5] =	stream.linear.gather [spmem:s13], $0x4000, $0x38;
	[tilespmem:$0x1C200] =	vst v63  }
0xd5: {  	_ =	swait.ge [sflag:s30], $0x4000  }
0xd6: {  	[sflag:s30] =	ssyncset.done $0x0  }
0xd7: {  	s18 =	rddreg [dreg:$0xc];
	[sflag:s30] =	ssyncadd.s32 $0xFFFFC000  }
0xd8: {  	[hbm4b:s18+s3] =	stream.linear.scatter [tilespmem:s29], [sflag:$0x5], $0x4000, $0x38;
	[tilespmem:$0x1C200] =	vst v63  }
0xd9: {  	_ =	swait.ge [sflag:s30], $0x4000  }
0xda: {  	[sflag:s30] =	ssyncset.done $0x0  }
0xdb: {  	[sflag:s30] =	ssyncadd.s32 $0xFFFFC000  }
0xdc: {  	[tilespmem:s29], [sflag:$0x5] =	stream.linear.gather [spmem:s15], $0x4000, $0x38;
	[tilespmem:$0x1C200] =	vst v63  }
0xdd: {  	_ =	swait.ge [sflag:s30], $0x4000  }
0xde: {  	[sflag:s30] =	ssyncset.done $0x0  }
0xdf: {  	s19 =	rddreg [dreg:$0xd];
	[sflag:s30] =	ssyncadd.s32 $0xFFFFC000  }
0xe0: {  	[hbm4b:s19+s3] =	stream.linear.scatter [tilespmem:s29], [sflag:$0x5], $0x4000, $0x38;
	[tilespmem:$0x1C200] =	vst v63  }
0xe1: {  	_ =	swait.ge [sflag:s30], $0x4000  }
0xe2: {  	[sflag:s30] =	ssyncset.done $0x0  }
0xe3: {  	[sflag:s30] =	ssyncadd.s32 $0xFFFFC000  }
0xe4: {  	[tilespmem:s29], [sflag:$0x5] =	stream.linear.gather [spmem:s26], $0x4000, $0x38;
	[tilespmem:$0x1C200] =	vst v63  }
0xe5: {  	_ =	swait.ge [sflag:s30], $0x4000  }
0xe6: {  	[sflag:s30] =	ssyncset.done $0x0  }
0xe7: {  	s21 =	rddreg [dreg:$0xe];
	[sflag:s30] =	ssyncadd.s32 $0xFFFFC000  }
0xe8: {  	[hbm4b:s21+s3] =	stream.linear.scatter [tilespmem:s29], [sflag:$0x5], $0x4000, $0x38;
	[tilespmem:$0x1C200] =	vst v63  }
0xe9: {  	_ =	swait.ge [sflag:s30], $0x4000  }
0xea: {  	[sflag:s30] =	ssyncset.done $0x0  }
0xeb: {  	[sflag:s30] =	ssyncadd.s32 $0xFFFFC000  }
0xec: {  	[tilespmem:s29], [sflag:$0x5] =	stream.linear.gather [spmem:s28], $0x4000, $0x38;
	[tilespmem:$0x1C200] =	vst v63  }
0xed: {  	_ =	swait.ge [sflag:s30], $0x4000  }
0xee: {  	[sflag:s30] =	ssyncset.done $0x0  }
0xef: {  	s22 =	rddreg [dreg:$0xf];
	[sflag:s30] =	ssyncadd.s32 $0xFFFFC000  }
0xf0: {  	[hbm4b:s22+s3] =	stream.linear.scatter [tilespmem:s29], [sflag:$0x5], $0x4000, $0x38;
	[tilespmem:$0x1C200] =	vst v63  }
0xf1: {  	_ =	swait.ge [sflag:s30], $0x4000  }
0xf2: {  	s16 =	sadd.s32 $0x1, s16;
	s23 =	rddreg [dreg:$0x6]  }
0xf3: {  	p0 =	sne.s32 s16, s23  }
.Ltmp1:
0xf4: {  	_ = 	snop;
	(pc) =	sbr.rel @p0 .LBB2_1-.Ltmp1, $3  }
0xf5: {  	_ =	sdelay $0x1  }
0xf6: {  	[sflag:s30] =	ssyncset.done $0x0  }
0xf7: {  	[sflag:s30] =	ssyncadd.s32 $0xFFFFC000  }
0xf8: {  	_ =	sfence.sel $0x180000  }
0xf9: {  	[bflag:$0x0] =	sbarrier.arrive $0xFFFF  }
0xfa: {  	_ =	strace $0x9000004D  }
0xfb: {  	s0 =	stileid.u32;
	[bflag:$0x2] =	sbarrier.arrive $0xFFFF  }
0xfc: {  	p0 =	sne.s32 s0, $0x0;
	s0 =	rddreg [dreg:$0x2]  }
0xfd: {  	s0 =	sadd.s32 @!p0 $0x100000, s0  }
0xfe: {  	[sflag:s0] =	ssyncadd.tile.s32 @!p0 $0x1;
	_ =	shalt  }
.Lfunc_end2:
_tile_overlayer_lowered:
.L_overlay_start_2:
0xff: {  	(tag) =	ssettag $0x2  }
0x100: {  	s0 =	rddreg [dreg:$0x0];
	s2 =	stileid.u32  }
0x101: {  	s1 =	rddreg [dreg:$0x1];
	p0 =	sne.s32 s2, $0x0  }
0x102: {  	s3 =	rddreg [dreg:$0x2];
	[bflag:$0x3] =	sbarrier.arrive $0xFFFF;
	s2 =	simm.s32 @!p0 $0x1C05  }
0x103: {  	[timem:s3], [sflag:s2] =	dma.local @!p0 [hbm:s0], s1  }
0x104: {  	s0 =	simm.s32 @!p0 $0x5  }
0x105: {  	_ =	swait.ge @!p0 [sflag:s0], s1  }
0x106: {  	s1 =	ssub.s32 @!p0 $0x0, s1;
	[sflag:s0] =	ssyncset.done @!p0 $0x0  }
0x107: {  	[sflag:s0] =	ssyncadd.s32 @!p0 s1  }
0x108: {  	[bflag:$0x3] =	sbarrier.arrive $0xFFFF  }
0x109: {  	_ =	shalt  }

// kernel: kernel.8.cloned.1.call-start
scs
__scs_entry_jumppad:
0x0: {  	(pc) =	sbr.rel $0x88, $3  }
0x1: {  	(tag) =	ssettag $0x0;
	lr =	simm.s32 $0x1  }
0x2: {  	[smem:$0x3F98] =	sst lr;
	_ =	strace $0xD0000000  }
0x3: {  	_ = 	snop  }
0x4: {  	_ = 	snop  }
0x5: {  	_ = 	snop  }
0x6: {  	_ = 	snop  }
0x7: {  	_ = 	snop  }
__scs_overlays_trampoline_lowered:
0x8: {  	[smem:$0x3FA7] =	sst s0  }
0x9: {  	[smem:$0x3FA8] =	sst s1  }
0xa: {  	[smem:$0x3FA9] =	sst s2  }
0xb: {  	[smem:$0x3FAA] =	sst s3  }
0xc: {  	[smem:$0x3FAB] =	sst s4  }
0xd: {  	[smem:$0x3FAC] =	sst s5  }
0xe: {  	[smem:$0x3FAD] =	sst s6  }
0xf: {  	[smem:$0x3FAE] =	sst s7  }
0x10: {  	[smem:$0x3FAF] =	sst s8  }
0x11: {  	[smem:$0x3FB0] =	sst s9;
	s0 =	simm.s32 @!p0 $0x0  }
0x12: {  	s1 =	sld [smem:$0x3F96];
	s0 =	simm.s32 @p0 $0x1  }
0x13: {  	[smem:$0x3FB1] =	sst s0;
	s0 =	simm.s32 @!p1 $0x0  }
0x14: {  	s2 =	sld [smem:$0x3F95];
	s0 =	simm.s32 @p1 $0x1  }
0x15: {  	[smem:$0x3FB2] =	sst s0;
	s0 =	simm.s32 @!p2 $0x0  }
0x16: {  	s3 =	sld [smem:$0x3FDB];
	s0 =	simm.s32 @p2 $0x1  }
0x17: {  	s4 =	simm.s32 $0x1BF5;
	[smem:$0x3FB4] =	sst s0  }
0x18: {  	s0 =	sld [smem:$0x3F97];
	_ =	swait.ge [sflag:s4], $0x0  }
0x19: {  	s7 =	sld [smem:$0x3F98]  }
0x1a: {  	s8 =	sadd.s32 $0xFFFFE003, lr  }
0x1b: {  	s9 =	sadd.s32 $0xFFFFFEF7, lr;
	s5 =	simm.s32 $0xFFFFFFFF;
	p2 =	slt.u32 s8, $0xFFFFF086  }
0x1c: {  	p1 =	slt.u32 s9, $0xF7A;
	s5 =	simm.s32 @!p2 $0x0  }
0x1d: {  	s5 =	simm.s32 @p1 $0x1;
	p0 =	seq.s32 s7, s2  }
0x1e: {  	s7 =	smul.u32 @!p0 $0xF7A, s2;
	p2 =	seq.s32 @!p0 s5, $0x0  }
0x1f: {  	s9 =	smul.u32 $0xF7A, s1;
	s8 =	simm.s32 @!p0 $0x1BF5;
	p2 =	por !p2, p0  }
0x20: {  	[sflag:s8] =	ssyncset.s32 @!p0 $0xFFFFF086;
	s6 =	sadd.s32 @!p0 s3, s7;
	s7 =	simm.s32 @!p0 $0x108  }
0x21: {  	s3 =	sadd.s32 s3, s9;
	s6 =	sadd.s32 @!p0 $0x88, s6;
	s7 =	simm.s32 @p2 $0x1082  }
0x22: {  	[simem:s7], [sflag:s8] =	dma.local @!p0 [hbm:s6], $0xF7A  }
0x23: {  	s9 =	sor.u32 $0xD0000000, s2;
	s6 =	simm.s32 $0x108;
	_ =	swait.ge @!p0 [sflag:s8], $0x0  }
0x24: {  	s3 =	sadd.s32 $0x88, s3;
	s6 =	simm.s32 @!p1 $0x1082;
	[sflag:s4] =	ssyncset.s32 $0xFFFFF086  }
0x25: {  	[simem:s6], [sflag:s4] =	dma.local [hbm:s3], $0xF7A  }
0x26: {  	[smem:$0x3F98] =	sst s1;
	(tag) =	ssettag s2;
	_ =	strace s9  }
0x27: {  	s1 =	sld [smem:$0x3FA8]  }
0x28: {  	s2 =	sld [smem:$0x3FA9]  }
0x29: {  	s4 =	sld [smem:$0x3FAB]  }
0x2a: {  	p0 =	seq.s32 s5, $0x0;
	s5 =	sld [smem:$0x3FAC]  }
0x2b: {  	s6 =	sld [smem:$0x3FAD]  }
0x2c: {  	s7 =	sld [smem:$0x3FAE]  }
0x2d: {  	s3 =	simm.s32 $0x108;
	s8 =	sld [smem:$0x3FAF]  }
0x2e: {  	s3 =	simm.s32 @!p0 $0x1082;
	s9 =	sld [smem:$0x3FB0]  }
0x2f: {  	lr =	sadd.s32 s0, s3;
	s0 =	sld [smem:$0x3FA7]  }
0x30: {  	s3 =	sld [smem:$0x3FAA]  }
0x31: {  	[smem:$0x3FB3] =	sst s10  }
0x32: {  	s10 =	sld [smem:$0x3FB1];
	_ =	sdelay $0x3  }
0x33: {  	p0 =	seq.s32 s10, $0x1;
	s10 =	sld [smem:$0x3FB3];
	_ =	sdelay $0x3  }
0x34: {  	[smem:$0x3FB3] =	sst s10  }
0x35: {  	s10 =	sld [smem:$0x3FB2];
	_ =	sdelay $0x3  }
0x36: {  	p1 =	seq.s32 s10, $0x1;
	s10 =	sld [smem:$0x3FB3];
	_ =	sdelay $0x3  }
0x37: {  	[smem:$0x3FB3] =	sst s10  }
0x38: {  	s10 =	sld [smem:$0x3FB4]  }
0x39: {  	_ = 	snop;
	(pc) =	sbr.ind lr, $3  }
0x3a: {  	_ = 	snop  }
0x3b: {  	_ = 	snop  }
0x3c: {  	p2 =	seq.s32 s10, $0x1;
	s10 =	sld [smem:$0x3FB3]  }
0x3d: {  	_ =	shalt  }
0x3e: {  	_ =	shalt  }
0x3f: {  	_ =	shalt  }
0x40: {  	_ =	shalt  }
0x41: {  	_ =	shalt  }
0x42: {  	_ =	shalt  }
0x43: {  	_ =	shalt  }
0x44: {  	_ =	shalt  }
0x45: {  	_ =	shalt  }
0x46: {  	_ =	shalt  }
0x47: {  	_ =	shalt  }
0x48: {  	_ =	shalt  }
0x49: {  	_ =	shalt  }
0x4a: {  	_ =	shalt  }
0x4b: {  	_ =	shalt  }
0x4c: {  	_ =	shalt  }
0x4d: {  	_ =	shalt  }
0x4e: {  	_ =	shalt  }
0x4f: {  	_ =	shalt  }
0x50: {  	_ =	shalt  }
0x51: {  	_ =	shalt  }
0x52: {  	_ =	shalt  }
0x53: {  	_ =	shalt  }
0x54: {  	_ =	shalt  }
0x55: {  	_ =	shalt  }
0x56: {  	_ =	shalt  }
0x57: {  	_ =	shalt  }
0x58: {  	_ =	shalt  }
0x59: {  	_ =	shalt  }
0x5a: {  	_ =	shalt  }
0x5b: {  	_ =	shalt  }
0x5c: {  	_ =	shalt  }
0x5d: {  	_ =	shalt  }
0x5e: {  	_ =	shalt  }
0x5f: {  	_ =	shalt  }
0x60: {  	_ =	shalt  }
0x61: {  	_ =	shalt  }
0x62: {  	_ =	shalt  }
0x63: {  	_ =	shalt  }
0x64: {  	_ =	shalt  }
0x65: {  	_ =	shalt  }
0x66: {  	_ =	shalt  }
0x67: {  	_ =	shalt  }
0x68: {  	_ =	shalt  }
0x69: {  	_ =	shalt  }
0x6a: {  	_ =	shalt  }
0x6b: {  	_ =	shalt  }
0x6c: {  	_ =	shalt  }
0x6d: {  	_ =	shalt  }
0x6e: {  	_ =	shalt  }
0x6f: {  	_ =	shalt  }
0x70: {  	_ =	shalt  }
0x71: {  	_ =	shalt  }
0x72: {  	_ =	shalt  }
0x73: {  	_ =	shalt  }
0x74: {  	_ =	shalt  }
0x75: {  	_ =	shalt  }
0x76: {  	_ =	shalt  }
0x77: {  	_ =	shalt  }
0x78: {  	_ =	shalt  }
0x79: {  	_ =	shalt  }
0x7a: {  	_ =	shalt  }
0x7b: {  	_ =	shalt  }
0x7c: {  	_ =	shalt  }
0x7d: {  	_ =	shalt  }
0x7e: {  	_ =	shalt  }
0x7f: {  	_ =	shalt  }
0x80: {  	_ =	shalt  }
0x81: {  	_ =	shalt  }
0x82: {  	_ =	shalt  }
0x83: {  	_ =	shalt  }
0x84: {  	_ =	shalt  }
0x85: {  	_ =	shalt  }
0x86: {  	_ =	shalt  }
0x87: {  	_ =	shalt  }
.Lfunc_end0:
.L_simem_size_0:
called_computation_lowered:
.L_overlay_start_0:
0x88: {  	s2 =	sld [smem:$0x3FD9]  }
0x89: {  	s3 =	sld [smem:$0x3FFE];
	_ =	sdelay $0x1  }
0x8a: {  	s1 =	srdreg.scid  }
0x8b: {  	s0 =	sand.u32 $0x1, s1  }
0x8c: {  	s16 =	sshll.u32 s0, $0xA;
	s2 =	sadd.s32 s3, s2  }
0x8d: {  	s2 =	sadd.s32 s2, s16  }
0x8e: {  	[smem:$0x3FBF] =	sst s2  }
0x8f: {  	_ = 	snop  }
0x90: {  	(tm) =	ssettm $0x1  }
0x91: {  	s17 =	sld [smem:$0x3FFB];
	_ =	sdelay $0x3  }
0x92: {  	_ =	strace s17  }
0x93: {  	s2 =	sld [smem:$0x3FFC];
	_ =	sdelay $0x3  }
0x94: {  	_ =	strace s2  }
0x95: {  	s2 =	sld [smem:$0x3FFD];
	_ =	sdelay $0x3  }
0x96: {  	_ =	strace s2  }
0x97: {  	_ =	strace $0x8FFFFFFF  }
0x98: {  	s18 =	sld [smem:$0x3FDB];
	_ =	sdelay $0x1  }
0x99: {  	s19 =	simm.s32 $_scs_section_size  }
0x9a: {  	s4 =	simm.s32 $_size__tile_overlayer_lowered;
	s5 =	simm.s32 $_tile_overlayer_lowered  }
0x9b: {  	s22 =	simm.s32 $0x1BFF;
	s21 =	sshll.u32 s5, $0x1;
	s2 =	sadd.s32 s19, s18  }
0x9c: {  	s6 =	simm.s32 $0x0;
	s20 =	sshll.u32 s4, $0x1;
	s4 =	sadd.s32 s21, s2  }
0x9d: {  	[timem:s6], [sflag:s22] =	dma.local [hbm:s4], s20  }
0x9e: {  	_ =	swait.ge [sflag:s22], s20  }
0x9f: {  	s3 =	ssub.s32 $0x0, s20;
	[sflag:s22] =	ssyncset.done $0x0  }
0xa0: {  	[sflag:s22] =	ssyncadd.s32 s3;
	_ =	sdelay $0x1  }
0xa1: {  	s23 =	simm.s32 $0x1B8B  }
0xa2: {  	_ =	swait.ge [sflag:s23], $0x1  }
0xa3: {  	[sflag:s23] =	ssyncset.done $0x0  }
0xa4: {  	s25 =	simm.s32 $0x1B8E;
	s24 =	sld [smem:$0x3FFE];
	[sflag:s23] =	ssyncadd.s32 $0xFFFFFFFF  }
0xa5: {  	s26 =	simm.s32 $execute0_lowered;
	[smem:$0x3FD2] =	sst s25  }
0xa6: {  	s4 =	sshll.u32 s26, $0x1;
	_ =	strace $0x80000046;
	[dreg:$0x1] =	wrdreg $0xFFFFFFFF  }
0xa7: {  	s28 =	simm.s32 $_size_execute0_lowered;
	s2 =	sadd.s32 s2, s4;
	[dreg:$0x0] =	wrdreg $0x0  }
0xa8: {  	s4 =	sshll.u32 s28, $0x1;
	[dreg:$0x2] =	wrdreg s2  }
0xa9: {  	[dreg:$0x3] =	wrdreg s4  }
0xaa: {  	[dreg:$0x4] =	wrdreg $0xC0  }
0xab: {  	_ =	task [dreg:s6], $0x5FFFF  }
0xac: {  	[dreg:$0x1] =	wrdreg $0xFFFFFFFF  }
0xad: {  	[dreg:$0x0] =	wrdreg $0x60  }
0xae: {  	[dreg:$0x2] =	wrdreg s24  }
0xaf: {  	[dreg:$0x3] =	wrdreg $0x9  }
0xb0: {  	_ =	task.clear_ibuf [dreg:s6], $0x4FFFF;
	_ =	strace $0x90000046  }
0xb1: {  	s29 =	simm.s32 $0x9;
	_ =	strace $0x80000048  }
0xb2: {  	_ =	swait.ge [sflag:s29], $0x1  }
0xb3: {  	[sflag:s29] =	ssyncadd.s32 $0xFFFFFFFF  }
0xb4: {  	_ =	strace $0x90000048  }
0xb5: {  	_ =	sfence  }
0xb6: {  	s30 =	sld [smem:$0x0];
	_ =	sdelay $0x2  }
0xb7: {  	s31 =	sshll.u32 s1, $0xD;
	s1 =	sshrl.u32 s1, $0x2  }
0xb8: {  	s3 =	sand.u32 $0x4000, s31;
	s1 =	sadd.s32 s1, s30  }
0xb9: {  	s0 =	sor.u32 s3, s0;
	s1 =	sshll.u32 s1, $0x11  }
0xba: {  	s0 =	sor.u32 s1, s0  }
0xbb: {  	s0 =	sadd.s32 $0x8F2B, s0  }
0xbc: {  	[sflag:s0] =	ssyncadd.remote.s32 $0x1  }
0xbd: {  	_ =	sfence.sel $0xFFFF  }
0xbe: {  	[dreg:$0x0] =	wrdreg $0xFFFFFFFF;
	(pc) =	sbr.abs _section_cstart, $3  }
0xbf: {  	[dreg:$0x1] =	wrdreg $0xFFFFFFFF  }
0xc0: {  	_ =	task.clear_ibuf [dreg:s6], $0x2FFFF;
	_ =	strace $0x9FFFFFFF  }
0xc1: {  	(tm) =	ssettm $0x7FFFFFFF  }
tec
execute0_lowered:
.L_overlay_start_1:
0x0: {  	(tag) =	ssettag $0x1  }
0x1: {  	s1 =	srdreg.scid;
	s0 =	stileid.u32  }
0x2: {  	s3 =	rddreg [dreg:$0x0];
	s8 =	simm.s32 $0x80;
	s9 =	simm.s32 $0x400  }
0x3: {  	s4 =	sand.u32 $0x1, s1;
	s2 =	sshll.u32 s0, $0x1;
	s1 =	rddreg [dreg:$0x1]  }
0x4: {  	s6 =	sshrl.u32 s0, $0x2;
	s5 =	sor.u32 s4, s2;
	s2 =	simm.s32 $0x0  }
0x5: {  	s6 =	smul.u32 $0x14000, s6;
	s4 =	ssub.s32 $0x2, s4;
	s7 =	sshll.u32 s5, $0x7  }
0x6: {  	[smem:$0x7FF] =	sst s2;
	s5 =	smul.u32 $0x4E8, s5;
	s7 =	sand.u32 $0x380, s7  }
0x7: {  	s31 =	sshrl.u32 s4, $0x1;
	_ =	strace $0x80000047;
	s6 =	sor.u32 s6, s7  }
0x8: {  	s5 =	sadd.s32 s5, s3;
	s7 =	ssub.s32 s4, s31;
	s6 =	sshrl.u32 s6, $0x3  }
0x9: {  	s6 =	sadd.s32 s6, s3;
	s3 =	sadd.s32 $0x2600, s5;
	s5 =	smax.u32 s7, $0x1  }
0xa: {  	v0 =	vimm.f32 $0.0e+00;
	v1 =	vimm.f32 $1.000000000e+00;
	s7 =	simm.s32 $0x2780;
	s4 =	sadd.s32 $0xC400, s6;
	s6 =	simm.s32 $0x1  }
.LBB2_1:
0xb: {  	s10 =	simm.s32 $0x40;
	s11 =	simm.s32 $0x0  }
.LBB2_2:
0xc: {  	p0 =	sne.s32 s10, $0x9FC0;
	[tilespmem:s11+$0x2780] =	vst v0;
	s11 =	smov.u32 s10;
	s10 =	sadd.s32 $0x40, s10  }
.Ltmp0:
0xd: {  	(pc) =	sbr.rel @p0 .LBB2_2-.Ltmp0, $2  }
0xe: {  	_ =	sdelay $0x2  }
0xf: {  	s11 =	sshra.s32 s11, $0x2  }
0x10: {  	[tilespmem:s11+$0x2780] =	vst v0;
	s10 =	simm.s32 $0x0  }
0x11: {  	[tilespmem:s10], [sflag:$0x1] =	stream.linear.gather [hbm4b:s3+s10], $0x2740, $0x38;
	[tilespmem:$0x4F80] =	vst v63  }
0x12: {  	_ =	swait.ge [sflag:s6], $0x2740  }
0x13: {  	[sflag:s6] =	ssyncset.done $0x0  }
0x14: {  	s11 =	simm.s32 $0x0;
	s10 =	simm.s32 $0x40;
	[sflag:s6] =	ssyncadd.s32 $0xFFFFD8C0  }
.LBB2_4:
0x15: {  	p0 =	sne.s32 s10, $0x9CC0;
	v2 =	vld [tilespmem:s11+$0x0];
	_ =	sdelay $0x3  }
.Ltmp1:
0x16: {  	(pc) =	sbr.rel @p0 .LBB2_4-.Ltmp1, $2  }
0x17: {  	_ =	sdelay $0x2  }
0x18: {  	s11 =	sshra.s32 s10, $0x2;
	s10 =	sadd.s32 $0x40, s10;
	[tilespmem:v2+s7+$0x0] =	vst.idx.add.f32.msk $0xffff, v1  }
0x19: {  	v2 =	vld [tilespmem:s11+$0x0];
	_ =	sdelay $0x5  }
0x1a: {  	s2 =	sadd.s32 $0x1, s2  }
0x1b: {  	p0 =	sne.s32 s2, s5  }
.Ltmp2:
0x1c: {  	[tilespmem:v2+s7+$0x0] =	vst.idx.add.f32.msk $0xffff, v1;
	(pc) =	sbr.rel @p0 .LBB2_1-.Ltmp2, $4  }
0x1d: {  	[hbm4b:s4+s8] =	stream.strided.scatter [tilespmem:s7], [sflag:$0x1], $0x2800, s9, s8, $0x38;
	[tilespmem:$0x4F80] =	vst v63  }
0x1e: {  	_ =	swait.ge [sflag:s6], $0x2800  }
0x1f: {  	[sflag:s6] =	ssyncset.done $0x0  }
0x20: {  	[sflag:s6] =	ssyncadd.s32 $0xFFFFD800  }
0x21: {  	_ =	sfence.sel $0x180000  }
0x22: {  	[bflag:$0x0] =	sbarrier.arrive $0xFFFF  }
0x23: {  	p0 =	sne.s32 s0, $0x0;
	_ =	strace $0x90000047  }
0x24: {  	s0 =	sadd.s32 @!p0 $0x100000, s1;
	[bflag:$0x2] =	sbarrier.arrive $0xFFFF  }
0x25: {  	[sflag:s0] =	ssyncadd.tile.s32 @!p0 $0x1;
	_ =	shalt  }
.Lfunc_end2:
_tile_overlayer_lowered:
.L_overlay_start_2:
0x26: {  	(tag) =	ssettag $0x2  }
0x27: {  	s0 =	rddreg [dreg:$0x0];
	s2 =	stileid.u32  }
0x28: {  	s1 =	rddreg [dreg:$0x1];
	p0 =	sne.s32 s2, $0x0  }
0x29: {  	s3 =	rddreg [dreg:$0x2];
	[bflag:$0x3] =	sbarrier.arrive $0xFFFF;
	s2 =	simm.s32 @!p0 $0x1C01  }
0x2a: {  	[timem:s3], [sflag:s2] =	dma.local @!p0 [hbm:s0], s1  }
0x2b: {  	s0 =	simm.s32 @!p0 $0x1  }
0x2c: {  	_ =	swait.ge @!p0 [sflag:s0], s1  }
0x2d: {  	s1 =	ssub.s32 @!p0 $0x0, s1;
	[sflag:s0] =	ssyncset.done @!p0 $0x0  }
0x2e: {  	[sflag:s0] =	ssyncadd.s32 @!p0 s1  }
0x2f: {  	[bflag:$0x3] =	sbarrier.arrive $0xFFFF  }
0x30: {  	_ =	shalt  }

</sc_bundles>
